<compile_context>
chip_gen: v7x
topology: tpu7x:2x2x1
jax: 0.10.2.dev20260603
libtpu: 0.0.44.dev20260713+nightly
codegen_flags: <defaults>
</compile_context>

<pallas_src>
import jax
import jax.numpy as jnp
from jax import lax
from jax.experimental import pallas as pl
from jax.experimental.pallas import tpu as pltpu
from jax.experimental.pallas import tpu_sc as plsc

_N = 10000
_E = 320000
_D = 128
_R = 6
_NP = 10240
_NC = 2
_NS = 16
_DH = _D // _NC
_DW = _DH + 16
_CH = 80
_NJ = 252
_EP = _NS * _NJ * _CH
_RPT = _NP // _NS
_NB = 6
_BLK = 512
_NBLK = _NP // _BLK


_EPP = _NP * 32


def _table_body(x_ref, win_ref, bin_ref, wr_ref, br_ref, src_ref, et_ref,
                h_ref, t0_ref, t1_ref, gidx_ref):
    gidx_ref[...] = et_ref[...] * _NP + src_ref[...]
    xb = x_ref[...]
    h = jnp.maximum(
        lax.dot_general(xb, win_ref[...], (((1,), (1,)), ((), ())),
                        preferred_element_type=jnp.float32) + bin_ref[...],
        0.0)
    h_ref[...] = h
    ones = jnp.ones((_BLK, _DW - _DH), jnp.float32)
    for r in range(_R):
        row = lax.dot_general(h, wr_ref[r], (((1,), (1,)), ((), ())),
                              preferred_element_type=jnp.float32) + br_ref[r]
        t0_ref[r] = jnp.concatenate([row[:, :_DH], ones], axis=1)
        t1_ref[r] = jnp.concatenate([row[:, _DH:], ones], axis=1)


def _table_call(x_p, W_in, b_in, Wr, br, src2d, et2d):
    erows = _EPP // _D // _NBLK
    return pl.pallas_call(
        _table_body,
        grid=(_NBLK,),
        in_specs=[
            pl.BlockSpec((_BLK, _D), lambda i: (i, 0)),
            pl.BlockSpec((_D, _D), lambda i: (0, 0)),
            pl.BlockSpec((1, _D), lambda i: (0, 0)),
            pl.BlockSpec((_R, _D, _D), lambda i: (0, 0, 0)),
            pl.BlockSpec((_R, 1, _D), lambda i: (0, 0, 0)),
            pl.BlockSpec((erows, _D), lambda i: (i, 0)),
            pl.BlockSpec((erows, _D), lambda i: (i, 0)),
        ],
        out_specs=[
            pl.BlockSpec((_BLK, _D), lambda i: (i, 0)),
            pl.BlockSpec((_R, _BLK, _DW), lambda i: (0, i, 0)),
            pl.BlockSpec((_R, _BLK, _DW), lambda i: (0, i, 0)),
            pl.BlockSpec((erows, _D), lambda i: (i, 0)),
        ],
        out_shape=[
            jax.ShapeDtypeStruct((_NP, _D), jnp.float32),
            jax.ShapeDtypeStruct((_R, _NP, _DW), jnp.float32),
            jax.ShapeDtypeStruct((_R, _NP, _DW), jnp.float32),
            jax.ShapeDtypeStruct((_EPP // _D, _D), jnp.int32),
        ],
    )(x_p, W_in, b_in, Wr, br, src2d, et2d)


def _sc_body(t0_hbm, t1_hbm, gidx_hbm, dst_hbm, zrow_hbm, msgp_hbm,
             idx_v, dst_v, *bufs_and_sems):
    rows = bufs_and_sems[:_NB]
    msg_sh = bufs_and_sems[_NB]
    gsem = bufs_and_sems[_NB + 1:2 * _NB + 1]
    ssem = bufs_and_sems[2 * _NB + 1:]
    c = lax.axis_index("c")
    s = lax.axis_index("s")

    pltpu.sync_copy(zrow_hbm, msg_sh.at[pl.ds(s * _RPT, _RPT)])
    pltpu.sync_copy(gidx_hbm.at[s], idx_v)
    pltpu.sync_copy(dst_hbm.at[s], dst_v)
    plsc.subcore_barrier()

    def start(j, buf, sem):
        @pl.when(c == 0)
        def _():
            pltpu.async_copy(t0_hbm.at[idx_v.at[j]], buf, sem)

        @pl.when(c == 1)
        def _():
            pltpu.async_copy(t1_hbm.at[idx_v.at[j]], buf, sem)

    def wait_g(buf, sem):
        pltpu.make_async_copy(t0_hbm.at[pl.ds(0, _CH)], buf, sem).wait()

    def wait_s(buf, sem):
        pltpu.make_async_copy(buf, msg_sh.at[pl.ds(0, _CH)], sem).wait()

    for k in range(4):
        start(k, rows[k], gsem[k])

    def step(i, carry):
        for k in range(_NB):
            jj = i * _NB + k

            @pl.when(jj + 4 < _NJ)
            def _():
                kn = (k + 4) % _NB

                @pl.when(jj >= 2)
                def _():
                    wait_s(rows[kn], ssem[kn])

                start(jj + 4, rows[kn], gsem[kn])

            wait_g(rows[k], gsem[k])
            pltpu.async_copy(rows[k], msg_sh.at[dst_v.at[jj]], ssem[k],
                             add=True)

        return carry

    lax.fori_loop(0, _NJ // _NB, step, 0)

    for k in range(_NB):
        wait_s(rows[k], ssem[k])

    plsc.subcore_barrier()
    pltpu.sync_copy(msg_sh.at[pl.ds(s * _RPT, _RPT)],
                    msgp_hbm.at[c, pl.ds(s * _RPT, _RPT)])


def _sc_call(t0, t1, gidx, dst, zrow):
    fn = pl.kernel(
        _sc_body,
        out_type=jax.ShapeDtypeStruct((_NC, _NP, _DW), jnp.float32),
        mesh=plsc.VectorSubcoreMesh(core_axis_name="c", subcore_axis_name="s"),
        compiler_params=pltpu.CompilerParams(use_tc_tiling_on_sc=False),
        scratch_types=[
            pltpu.VMEM((_NJ, _CH), jnp.int32),
            pltpu.VMEM((_NJ, _CH), jnp.int32),
        ] + [pltpu.VMEM((_CH, _DW), jnp.float32) for _ in range(_NB)] + [
            pltpu.VMEM_SHARED((_NP, _DW), jnp.float32),
        ] + [pltpu.SemaphoreType.DMA for _ in range(2 * _NB)],
    )
    return fn(t0, t1, gidx, dst, zrow)


def _epi_body(h_ref, msgp_ref, w1_ref, b1_ref, w2_ref, b2_ref,
              wp_ref, emb_ref, pred_ref):
    msg = jnp.concatenate([msgp_ref[0, :, :_DH], msgp_ref[1, :, :_DH]], axis=1)
    cnt = msgp_ref[0, :, _DH:_DH + 1]
    t = h_ref[...] + msg / jnp.maximum(cnt, 1.0)
    z = jnp.maximum(
        lax.dot_general(t, w1_ref[...], (((1,), (1,)), ((), ())),
                        preferred_element_type=jnp.float32) + b1_ref[...],
        0.0)
    emb = lax.dot_general(z, w2_ref[...], (((1,), (1,)), ((), ())),
                          preferred_element_type=jnp.float32) + b2_ref[...]
    emb_ref[...] = emb
    pred_ref[...] = lax.dot_general(emb, wp_ref[...], (((1,), (1,)), ((), ())),
                                    preferred_element_type=jnp.float32)


def _epi_call(h, msgp, W1, b1, W2, b2, Wp):
    return pl.pallas_call(
        _epi_body,
        grid=(_NBLK,),
        in_specs=[
            pl.BlockSpec((_BLK, _D), lambda i: (i, 0)),
            pl.BlockSpec((_NC, _BLK, _DW), lambda i: (0, i, 0)),
            pl.BlockSpec((_D, _D), lambda i: (0, 0)),
            pl.BlockSpec((1, _D), lambda i: (0, 0)),
            pl.BlockSpec((_D, _D), lambda i: (0, 0)),
            pl.BlockSpec((1, _D), lambda i: (0, 0)),
            pl.BlockSpec((1, _D), lambda i: (0, 0)),
        ],
        out_specs=[
            pl.BlockSpec((_BLK, _D), lambda i: (i, 0)),
            pl.BlockSpec((_BLK, 1), lambda i: (i, 0)),
        ],
        out_shape=[
            jax.ShapeDtypeStruct((_NP, _D), jnp.float32),
            jax.ShapeDtypeStruct((_NP, 1), jnp.float32),
        ],
    )(h, msgp, W1, b1, W2, b2, Wp)


@jax.jit
def kernel(x, edge_index, edge_type, W_in, b_in, Wr, br, W1, b1, W2, b2, Wp, bp):
    x_p = jnp.pad(x, ((0, _NP - _N), (0, 0)))
    src_p = jnp.pad(edge_index[0], (0, _EPP - _E))
    et_p = jnp.pad(edge_type, (0, _EPP - _E))
    dst_p = jnp.pad(edge_index[1], (0, _EP - _E), constant_values=_N)
    h, T0, T1, gidx2d = _table_call(x_p, W_in, b_in.reshape(1, _D), Wr,
                                    br.reshape(_R, 1, _D),
                                    src_p.reshape(_EPP // _D, _D),
                                    et_p.reshape(_EPP // _D, _D))
    t0 = T0.reshape(_R * _NP, _DW)
    t1 = T1.reshape(_R * _NP, _DW)
    gidx = gidx2d[:_EP // _D].reshape(_NS, _NJ, _CH)
    dst = dst_p.reshape(_NS, _NJ, _CH)

    zrow = jnp.zeros((_RPT, _DW), jnp.float32)
    msgp = _sc_call(t0, t1, gidx, dst, zrow)

    emb_p, pred_p = _epi_call(h, msgp, W1, b1.reshape(1, _D), W2,
                              b2.reshape(1, _D), Wp)
    return emb_p[:_N], pred_p[:_N] + bp

# --- scband reference (transcript-rebuilt; emitter-appended) ---
"""Pipeline reference for scband-simple-rgat-26723286515871 (READ-ONLY COPY).

The authoritative reference and input builder live on the scoring server;
editing this copy changes nothing except your own understanding.
"""

import jax, jax.numpy as jnp
import numpy as np

N = 10000
E = 320000
D = 128
R = 6


def setup_inputs(seed: int = 0) -> dict:
    key = jax.random.key(seed)
    ks = jax.random.split(key, 16)
    s = 0.05
    inp = {}
    inp["x"] = jax.random.normal(ks[0], (N, D), dtype=jnp.float32)
    inp["edge_index"] = jax.random.randint(ks[1], (2, E), 0, N, dtype=jnp.int32)
    inp["edge_type"] = jax.random.randint(ks[2], (E,), 0, R, dtype=jnp.int32)
    # parameters (Linear stores weight [out, in]; y = x @ W.T + b)
    inp["W_in"] = jax.random.normal(ks[3], (D, D), dtype=jnp.float32) * s
    inp["b_in"] = jax.random.normal(ks[4], (D,), dtype=jnp.float32) * s
    inp["Wr"] = jax.random.normal(ks[5], (R, D, D), dtype=jnp.float32) * s
    inp["br"] = jax.random.normal(ks[6], (R, D), dtype=jnp.float32) * s
    inp["W1"] = jax.random.normal(ks[7], (D, D), dtype=jnp.float32) * s
    inp["b1"] = jax.random.normal(ks[8], (D,), dtype=jnp.float32) * s
    inp["W2"] = jax.random.normal(ks[9], (D, D), dtype=jnp.float32) * s
    inp["b2"] = jax.random.normal(ks[10], (D,), dtype=jnp.float32) * s
    inp["Wp"] = jax.random.normal(ks[11], (1, D), dtype=jnp.float32) * s
    inp["bp"] = jax.random.normal(ks[12], (1,), dtype=jnp.float32) * s
    return inp


def reference(x, edge_index, edge_type, W_in, b_in, Wr, br, W1, b1, W2, b2, Wp, bp):
    src = edge_index[0]
    dst = edge_index[1]
    h = jax.nn.relu(x @ W_in.T + b_in)
    messages = jnp.zeros_like(h)
    counts = jnp.zeros((h.shape[0], 1), dtype=h.dtype)
    for r in range(Wr.shape[0]):
        m = (edge_type == r).astype(h.dtype)[:, None]  # [E, 1] relation mask
        h_src = h[src] @ Wr[r].T + br[r]               # gather + per-relation linear
        messages = messages.at[dst].add(h_src * m)      # scatter-add (index_add_)
        counts = counts.at[dst].add(m)
    counts = jnp.maximum(counts, 1.0)
    h = h + messages / counts
    z = jax.nn.relu(h @ W1.T + b1)
    embeddings = z @ W2.T + b2  # dropout(0.1) is identity in eval/deterministic mode
    predictions = embeddings @ Wp.T + bp
    return (embeddings, predictions)

if __name__ == "__main__":
    import jax
    _d = setup_inputs()
    print(jax.jit(kernel)(*tuple(_d.values())))

</pallas_src>

<mosaic_0001>
#map = affine_map<(d0, d1) -> (0, 0)>
#map1 = affine_map<(d0, d1) -> (0, 0, 0)>
module attributes {stable_mosaic.version = 14 : i64} {
  func.func @_sc_body(%arg0: i32, %arg1: i32, %arg2: memref<61440x80xf32, #tpu.memory_space<hbm>>, %arg3: memref<61440x80xf32, #tpu.memory_space<hbm>>, %arg4: memref<16x252x80xi32, #tpu.memory_space<hbm>>, %arg5: memref<16x252x80xi32, #tpu.memory_space<hbm>>, %arg6: memref<640x80xf32, #tpu.memory_space<hbm>>, %arg7: memref<2x10240x80xf32, #tpu.memory_space<hbm>>, %arg8: memref<252x80xi32, #tpu.memory_space<vmem>>, %arg9: memref<252x80xi32, #tpu.memory_space<vmem>>, %arg10: memref<80x80xf32, #tpu.memory_space<vmem>>, %arg11: memref<80x80xf32, #tpu.memory_space<vmem>>, %arg12: memref<80x80xf32, #tpu.memory_space<vmem>>, %arg13: memref<80x80xf32, #tpu.memory_space<vmem>>, %arg14: memref<80x80xf32, #tpu.memory_space<vmem>>, %arg15: memref<80x80xf32, #tpu.memory_space<vmem>>, %arg16: memref<10240x80xf32, #tpu.memory_space<vmem_shared>>, %arg17: memref<!tpu.dma_semaphore, #tpu.memory_space<semaphore_mem>>, %arg18: memref<!tpu.dma_semaphore, #tpu.memory_space<semaphore_mem>>, %arg19: memref<!tpu.dma_semaphore, #tpu.memory_space<semaphore_mem>>, %arg20: memref<!tpu.dma_semaphore, #tpu.memory_space<semaphore_mem>>, %arg21: memref<!tpu.dma_semaphore, #tpu.memory_space<semaphore_mem>>, %arg22: memref<!tpu.dma_semaphore, #tpu.memory_space<semaphore_mem>>, %arg23: memref<!tpu.dma_semaphore, #tpu.memory_space<semaphore_mem>>, %arg24: memref<!tpu.dma_semaphore, #tpu.memory_space<semaphore_mem>>, %arg25: memref<!tpu.dma_semaphore, #tpu.memory_space<semaphore_mem>>, %arg26: memref<!tpu.dma_semaphore, #tpu.memory_space<semaphore_mem>>, %arg27: memref<!tpu.dma_semaphore, #tpu.memory_space<semaphore_mem>>, %arg28: memref<!tpu.dma_semaphore, #tpu.memory_space<semaphore_mem>>) attributes {dimension_semantics = [#tpu.dimension_semantics<core_parallel>, #tpu.dimension_semantics<subcore_parallel>], iteration_bounds = array<i64: 2, 16>, scalar_prefetch = 0 : i64, scratch_operands = 21 : i64, tpu.core_type = #tpu.core_type<sc_vector_subcore>, window_params = [{transform_indices = #map}, {transform_indices = #map}, {transform_indices = #map1}, {transform_indices = #map1}, {transform_indices = #map}, {transform_indices = #map1}]} {
    %mul3A = arith.constant 640 : i32
    %mul3A_0 = arith.muli %arg1, %mul3A : i32
    "tpu.region"() ({
      %run_scoped3A = tpu.sem_alloc : memref<!tpu.dma_semaphore, #tpu.memory_space<semaphore_mem>>
      %dma_start3A = arith.constant 0 : i32
      %dma_start3A_83 = tpu.memref_slice %arg16[%mul3A_0, %dma_start3A] : memref<10240x80xf32, #tpu.memory_space<vmem_shared>> -> memref<640x80xf32, #tpu.memory_space<vmem_shared>>
      tpu.enqueue_dma source(%arg6 : memref<640x80xf32, #tpu.memory_space<hbm>>) target(%dma_start3A_83 : memref<640x80xf32, #tpu.memory_space<vmem_shared>>) target_semaphore(%run_scoped3A : memref<!tpu.dma_semaphore, #tpu.memory_space<semaphore_mem>>)
      %dma_wait3A_84 = arith.constant 0 : i32
      %dma_wait3A_85 = tpu.memref_slice %arg16[%mul3A_0, %dma_wait3A_84] : memref<10240x80xf32, #tpu.memory_space<vmem_shared>> -> memref<640x80xf32, #tpu.memory_space<vmem_shared>>
      tpu.wait_dma2 semaphore(%run_scoped3A : memref<!tpu.dma_semaphore, #tpu.memory_space<semaphore_mem>>) src(%arg6 : memref<640x80xf32, #tpu.memory_space<hbm>>) dst(%dma_wait3A_85 : memref<640x80xf32, #tpu.memory_space<vmem_shared>>)
      tpu.yield
    }) : () -> ()
    "tpu.region"() ({
      %run_scoped3A = tpu.sem_alloc : memref<!tpu.dma_semaphore, #tpu.memory_space<semaphore_mem>>
      %dma_start3A = arith.constant 0 : i32
      %dma_start3A_83 = arith.constant 0 : i32
      %dma_start3A_84 = tpu.memref_slice %arg4[%arg1, %dma_start3A, %dma_start3A_83] : memref<16x252x80xi32, #tpu.memory_space<hbm>> -> memref<1x252x80xi32, #tpu.memory_space<hbm>>
      %dma_start3A_85 = tpu.memref_squeeze %dma_start3A_84 : memref<1x252x80xi32, #tpu.memory_space<hbm>> -> memref<252x80xi32, #tpu.memory_space<hbm>>
      %dma_start3A_86 = arith.constant 0 : i32
      %dma_start3A_87 = arith.constant 0 : i32
      %dma_start3A_88 = tpu.memref_slice %arg4[%arg1, %dma_start3A_86, %dma_start3A_87] : memref<16x252x80xi32, #tpu.memory_space<hbm>> -> memref<1x252x80xi32, #tpu.memory_space<hbm>>
      %dma_start3A_89 = tpu.memref_squeeze %dma_start3A_88 : memref<1x252x80xi32, #tpu.memory_space<hbm>> -> memref<252x80xi32, #tpu.memory_space<hbm>>
      tpu.enqueue_dma source(%dma_start3A_89 : memref<252x80xi32, #tpu.memory_space<hbm>>) target(%arg8 : memref<252x80xi32, #tpu.memory_space<vmem>>) target_semaphore(%run_scoped3A : memref<!tpu.dma_semaphore, #tpu.memory_space<semaphore_mem>>)
      %dma_wait3A_90 = arith.constant 0 : i32
      %dma_wait3A_91 = arith.constant 0 : i32
      %dma_wait3A_92 = tpu.memref_slice %arg4[%arg1, %dma_wait3A_90, %dma_wait3A_91] : memref<16x252x80xi32, #tpu.memory_space<hbm>> -> memref<1x252x80xi32, #tpu.memory_space<hbm>>
      %dma_wait3A_93 = tpu.memref_squeeze %dma_wait3A_92 : memref<1x252x80xi32, #tpu.memory_space<hbm>> -> memref<252x80xi32, #tpu.memory_space<hbm>>
      %dma_wait3A_94 = arith.constant 0 : i32
      %dma_wait3A_95 = arith.constant 0 : i32
      %dma_wait3A_96 = tpu.memref_slice %arg4[%arg1, %dma_wait3A_94, %dma_wait3A_95] : memref<16x252x80xi32, #tpu.memory_space<hbm>> -> memref<1x252x80xi32, #tpu.memory_space<hbm>>
      %dma_wait3A_97 = tpu.memref_squeeze %dma_wait3A_96 : memref<1x252x80xi32, #tpu.memory_space<hbm>> -> memref<252x80xi32, #tpu.memory_space<hbm>>
      tpu.wait_dma2 semaphore(%run_scoped3A : memref<!tpu.dma_semaphore, #tpu.memory_space<semaphore_mem>>) src(%dma_wait3A_97 : memref<252x80xi32, #tpu.memory_space<hbm>>) dst(%arg8 : memref<252x80xi32, #tpu.memory_space<vmem>>)
      tpu.yield
    }) : () -> ()
    "tpu.region"() ({
      %run_scoped3A = tpu.sem_alloc : memref<!tpu.dma_semaphore, #tpu.memory_space<semaphore_mem>>
      %dma_start3A = arith.constant 0 : i32
      %dma_start3A_83 = arith.constant 0 : i32
      %dma_start3A_84 = tpu.memref_slice %arg5[%arg1, %dma_start3A, %dma_start3A_83] : memref<16x252x80xi32, #tpu.memory_space<hbm>> -> memref<1x252x80xi32, #tpu.memory_space<hbm>>
      %dma_start3A_85 = tpu.memref_squeeze %dma_start3A_84 : memref<1x252x80xi32, #tpu.memory_space<hbm>> -> memref<252x80xi32, #tpu.memory_space<hbm>>
      %dma_start3A_86 = arith.constant 0 : i32
      %dma_start3A_87 = arith.constant 0 : i32
      %dma_start3A_88 = tpu.memref_slice %arg5[%arg1, %dma_start3A_86, %dma_start3A_87] : memref<16x252x80xi32, #tpu.memory_space<hbm>> -> memref<1x252x80xi32, #tpu.memory_space<hbm>>
      %dma_start3A_89 = tpu.memref_squeeze %dma_start3A_88 : memref<1x252x80xi32, #tpu.memory_space<hbm>> -> memref<252x80xi32, #tpu.memory_space<hbm>>
      tpu.enqueue_dma source(%dma_start3A_89 : memref<252x80xi32, #tpu.memory_space<hbm>>) target(%arg9 : memref<252x80xi32, #tpu.memory_space<vmem>>) target_semaphore(%run_scoped3A : memref<!tpu.dma_semaphore, #tpu.memory_space<semaphore_mem>>)
      %dma_wait3A_90 = arith.constant 0 : i32
      %dma_wait3A_91 = arith.constant 0 : i32
      %dma_wait3A_92 = tpu.memref_slice %arg5[%arg1, %dma_wait3A_90, %dma_wait3A_91] : memref<16x252x80xi32, #tpu.memory_space<hbm>> -> memref<1x252x80xi32, #tpu.memory_space<hbm>>
      %dma_wait3A_93 = tpu.memref_squeeze %dma_wait3A_92 : memref<1x252x80xi32, #tpu.memory_space<hbm>> -> memref<252x80xi32, #tpu.memory_space<hbm>>
      %dma_wait3A_94 = arith.constant 0 : i32
      %dma_wait3A_95 = arith.constant 0 : i32
      %dma_wait3A_96 = tpu.memref_slice %arg5[%arg1, %dma_wait3A_94, %dma_wait3A_95] : memref<16x252x80xi32, #tpu.memory_space<hbm>> -> memref<1x252x80xi32, #tpu.memory_space<hbm>>
      %dma_wait3A_97 = tpu.memref_squeeze %dma_wait3A_96 : memref<1x252x80xi32, #tpu.memory_space<hbm>> -> memref<252x80xi32, #tpu.memory_space<hbm>>
      tpu.wait_dma2 semaphore(%run_scoped3A : memref<!tpu.dma_semaphore, #tpu.memory_space<semaphore_mem>>) src(%dma_wait3A_97 : memref<252x80xi32, #tpu.memory_space<hbm>>) dst(%arg9 : memref<252x80xi32, #tpu.memory_space<vmem>>)
      tpu.yield
    }) : () -> ()
    %barrier3A = arith.constant 0 : index
    tpu.barrier barrier_id(%barrier3A)
    %eq3A = arith.constant 0 : i32
    %eq3A_1 = arith.cmpi eq, %arg0, %eq3A : i32
    %convert_element_type3A = arith.extui %eq3A_1 : i1 to i32
    %cond3A = arith.constant 0 : i32
    %cond3A_2 = arith.cmpi ne, %convert_element_type3A, %cond3A : i32
    scf.if %cond3A_2 {
      %dma_start3A = arith.constant 0 : i32
      %dma_start3A_83 = arith.constant 0 : i32
      %dma_start3A_84 = tpu.memref_slice %arg8[%dma_start3A, %dma_start3A_83] : memref<252x80xi32, #tpu.memory_space<vmem>> -> memref<1x80xi32, #tpu.memory_space<vmem>>
      %dma_start3A_85 = tpu.memref_squeeze %dma_start3A_84 : memref<1x80xi32, #tpu.memory_space<vmem>> -> memref<80xi32, #tpu.memory_space<vmem>>
      %dma_start3A_86 = arith.constant 0 : i32
      %dma_start3A_87 = arith.constant 0 : i32
      %dma_start3A_88 = tpu.memref_slice %arg2[%dma_start3A_86, %dma_start3A_87] : memref<61440x80xf32, #tpu.memory_space<hbm>> -> memref<61440x80xf32, #tpu.memory_space<hbm>>
      tpu.enqueue_indirect_dma source(%dma_start3A_88 : memref<61440x80xf32, #tpu.memory_space<hbm>>) target(%arg10 : memref<80x80xf32, #tpu.memory_space<vmem>>) offsets(%dma_start3A_85 : memref<80xi32, #tpu.memory_space<vmem>>) semaphore(%arg17 : memref<!tpu.dma_semaphore, #tpu.memory_space<semaphore_mem>>)
    } else {
    }
    %eq3A_3 = arith.constant 1 : i32
    %eq3A_4 = arith.cmpi eq, %arg0, %eq3A_3 : i32
    %convert_element_type3A_5 = arith.extui %eq3A_4 : i1 to i32
    %cond3A_6 = arith.constant 0 : i32
    %cond3A_7 = arith.cmpi ne, %convert_element_type3A_5, %cond3A_6 : i32
    scf.if %cond3A_7 {
      %dma_start3A = arith.constant 0 : i32
      %dma_start3A_83 = arith.constant 0 : i32
      %dma_start3A_84 = tpu.memref_slice %arg8[%dma_start3A, %dma_start3A_83] : memref<252x80xi32, #tpu.memory_space<vmem>> -> memref<1x80xi32, #tpu.memory_space<vmem>>
      %dma_start3A_85 = tpu.memref_squeeze %dma_start3A_84 : memref<1x80xi32, #tpu.memory_space<vmem>> -> memref<80xi32, #tpu.memory_space<vmem>>
      %dma_start3A_86 = arith.constant 0 : i32
      %dma_start3A_87 = arith.constant 0 : i32
      %dma_start3A_88 = tpu.memref_slice %arg3[%dma_start3A_86, %dma_start3A_87] : memref<61440x80xf32, #tpu.memory_space<hbm>> -> memref<61440x80xf32, #tpu.memory_space<hbm>>
      tpu.enqueue_indirect_dma source(%dma_start3A_88 : memref<61440x80xf32, #tpu.memory_space<hbm>>) target(%arg10 : memref<80x80xf32, #tpu.memory_space<vmem>>) offsets(%dma_start3A_85 : memref<80xi32, #tpu.memory_space<vmem>>) semaphore(%arg17 : memref<!tpu.dma_semaphore, #tpu.memory_space<semaphore_mem>>)
    } else {
    }
    %eq3A_8 = arith.constant 0 : i32
    %eq3A_9 = arith.cmpi eq, %arg0, %eq3A_8 : i32
    %convert_element_type3A_10 = arith.extui %eq3A_9 : i1 to i32
    %cond3A_11 = arith.constant 0 : i32
    %cond3A_12 = arith.cmpi ne, %convert_element_type3A_10, %cond3A_11 : i32
    scf.if %cond3A_12 {
      %dma_start3A = arith.constant 1 : i32
      %dma_start3A_83 = arith.constant 0 : i32
      %dma_start3A_84 = tpu.memref_slice %arg8[%dma_start3A, %dma_start3A_83] : memref<252x80xi32, #tpu.memory_space<vmem>> -> memref<1x80xi32, #tpu.memory_space<vmem>>
      %dma_start3A_85 = tpu.memref_squeeze %dma_start3A_84 : memref<1x80xi32, #tpu.memory_space<vmem>> -> memref<80xi32, #tpu.memory_space<vmem>>
      %dma_start3A_86 = arith.constant 0 : i32
      %dma_start3A_87 = arith.constant 0 : i32
      %dma_start3A_88 = tpu.memref_slice %arg2[%dma_start3A_86, %dma_start3A_87] : memref<61440x80xf32, #tpu.memory_space<hbm>> -> memref<61440x80xf32, #tpu.memory_space<hbm>>
      tpu.enqueue_indirect_dma source(%dma_start3A_88 : memref<61440x80xf32, #tpu.memory_space<hbm>>) target(%arg11 : memref<80x80xf32, #tpu.memory_space<vmem>>) offsets(%dma_start3A_85 : memref<80xi32, #tpu.memory_space<vmem>>) semaphore(%arg18 : memref<!tpu.dma_semaphore, #tpu.memory_space<semaphore_mem>>)
    } else {
    }
    %eq3A_13 = arith.constant 1 : i32
    %eq3A_14 = arith.cmpi eq, %arg0, %eq3A_13 : i32
    %convert_element_type3A_15 = arith.extui %eq3A_14 : i1 to i32
    %cond3A_16 = arith.constant 0 : i32
    %cond3A_17 = arith.cmpi ne, %convert_element_type3A_15, %cond3A_16 : i32
    scf.if %cond3A_17 {
      %dma_start3A = arith.constant 1 : i32
      %dma_start3A_83 = arith.constant 0 : i32
      %dma_start3A_84 = tpu.memref_slice %arg8[%dma_start3A, %dma_start3A_83] : memref<252x80xi32, #tpu.memory_space<vmem>> -> memref<1x80xi32, #tpu.memory_space<vmem>>
      %dma_start3A_85 = tpu.memref_squeeze %dma_start3A_84 : memref<1x80xi32, #tpu.memory_space<vmem>> -> memref<80xi32, #tpu.memory_space<vmem>>
      %dma_start3A_86 = arith.constant 0 : i32
      %dma_start3A_87 = arith.constant 0 : i32
      %dma_start3A_88 = tpu.memref_slice %arg3[%dma_start3A_86, %dma_start3A_87] : memref<61440x80xf32, #tpu.memory_space<hbm>> -> memref<61440x80xf32, #tpu.memory_space<hbm>>
      tpu.enqueue_indirect_dma source(%dma_start3A_88 : memref<61440x80xf32, #tpu.memory_space<hbm>>) target(%arg11 : memref<80x80xf32, #tpu.memory_space<vmem>>) offsets(%dma_start3A_85 : memref<80xi32, #tpu.memory_space<vmem>>) semaphore(%arg18 : memref<!tpu.dma_semaphore, #tpu.memory_space<semaphore_mem>>)
    } else {
    }
    %eq3A_18 = arith.constant 0 : i32
    %eq3A_19 = arith.cmpi eq, %arg0, %eq3A_18 : i32
    %convert_element_type3A_20 = arith.extui %eq3A_19 : i1 to i32
    %cond3A_21 = arith.constant 0 : i32
    %cond3A_22 = arith.cmpi ne, %convert_element_type3A_20, %cond3A_21 : i32
    scf.if %cond3A_22 {
      %dma_start3A = arith.constant 2 : i32
      %dma_start3A_83 = arith.constant 0 : i32
      %dma_start3A_84 = tpu.memref_slice %arg8[%dma_start3A, %dma_start3A_83] : memref<252x80xi32, #tpu.memory_space<vmem>> -> memref<1x80xi32, #tpu.memory_space<vmem>>
      %dma_start3A_85 = tpu.memref_squeeze %dma_start3A_84 : memref<1x80xi32, #tpu.memory_space<vmem>> -> memref<80xi32, #tpu.memory_space<vmem>>
      %dma_start3A_86 = arith.constant 0 : i32
      %dma_start3A_87 = arith.constant 0 : i32
      %dma_start3A_88 = tpu.memref_slice %arg2[%dma_start3A_86, %dma_start3A_87] : memref<61440x80xf32, #tpu.memory_space<hbm>> -> memref<61440x80xf32, #tpu.memory_space<hbm>>
      tpu.enqueue_indirect_dma source(%dma_start3A_88 : memref<61440x80xf32, #tpu.memory_space<hbm>>) target(%arg12 : memref<80x80xf32, #tpu.memory_space<vmem>>) offsets(%dma_start3A_85 : memref<80xi32, #tpu.memory_space<vmem>>) semaphore(%arg19 : memref<!tpu.dma_semaphore, #tpu.memory_space<semaphore_mem>>)
    } else {
    }
    %eq3A_23 = arith.constant 1 : i32
    %eq3A_24 = arith.cmpi eq, %arg0, %eq3A_23 : i32
    %convert_element_type3A_25 = arith.extui %eq3A_24 : i1 to i32
    %cond3A_26 = arith.constant 0 : i32
    %cond3A_27 = arith.cmpi ne, %convert_element_type3A_25, %cond3A_26 : i32
    scf.if %cond3A_27 {
      %dma_start3A = arith.constant 2 : i32
      %dma_start3A_83 = arith.constant 0 : i32
      %dma_start3A_84 = tpu.memref_slice %arg8[%dma_start3A, %dma_start3A_83] : memref<252x80xi32, #tpu.memory_space<vmem>> -> memref<1x80xi32, #tpu.memory_space<vmem>>
      %dma_start3A_85 = tpu.memref_squeeze %dma_start3A_84 : memref<1x80xi32, #tpu.memory_space<vmem>> -> memref<80xi32, #tpu.memory_space<vmem>>
      %dma_start3A_86 = arith.constant 0 : i32
      %dma_start3A_87 = arith.constant 0 : i32
      %dma_start3A_88 = tpu.memref_slice %arg3[%dma_start3A_86, %dma_start3A_87] : memref<61440x80xf32, #tpu.memory_space<hbm>> -> memref<61440x80xf32, #tpu.memory_space<hbm>>
      tpu.enqueue_indirect_dma source(%dma_start3A_88 : memref<61440x80xf32, #tpu.memory_space<hbm>>) target(%arg12 : memref<80x80xf32, #tpu.memory_space<vmem>>) offsets(%dma_start3A_85 : memref<80xi32, #tpu.memory_space<vmem>>) semaphore(%arg19 : memref<!tpu.dma_semaphore, #tpu.memory_space<semaphore_mem>>)
    } else {
    }
    %eq3A_28 = arith.constant 0 : i32
    %eq3A_29 = arith.cmpi eq, %arg0, %eq3A_28 : i32
    %convert_element_type3A_30 = arith.extui %eq3A_29 : i1 to i32
    %cond3A_31 = arith.constant 0 : i32
    %cond3A_32 = arith.cmpi ne, %convert_element_type3A_30, %cond3A_31 : i32
    scf.if %cond3A_32 {
      %dma_start3A = arith.constant 3 : i32
      %dma_start3A_83 = arith.constant 0 : i32
      %dma_start3A_84 = tpu.memref_slice %arg8[%dma_start3A, %dma_start3A_83] : memref<252x80xi32, #tpu.memory_space<vmem>> -> memref<1x80xi32, #tpu.memory_space<vmem>>
      %dma_start3A_85 = tpu.memref_squeeze %dma_start3A_84 : memref<1x80xi32, #tpu.memory_space<vmem>> -> memref<80xi32, #tpu.memory_space<vmem>>
      %dma_start3A_86 = arith.constant 0 : i32
      %dma_start3A_87 = arith.constant 0 : i32
      %dma_start3A_88 = tpu.memref_slice %arg2[%dma_start3A_86, %dma_start3A_87] : memref<61440x80xf32, #tpu.memory_space<hbm>> -> memref<61440x80xf32, #tpu.memory_space<hbm>>
      tpu.enqueue_indirect_dma source(%dma_start3A_88 : memref<61440x80xf32, #tpu.memory_space<hbm>>) target(%arg13 : memref<80x80xf32, #tpu.memory_space<vmem>>) offsets(%dma_start3A_85 : memref<80xi32, #tpu.memory_space<vmem>>) semaphore(%arg20 : memref<!tpu.dma_semaphore, #tpu.memory_space<semaphore_mem>>)
    } else {
    }
    %eq3A_33 = arith.constant 1 : i32
    %eq3A_34 = arith.cmpi eq, %arg0, %eq3A_33 : i32
    %convert_element_type3A_35 = arith.extui %eq3A_34 : i1 to i32
    %cond3A_36 = arith.constant 0 : i32
    %cond3A_37 = arith.cmpi ne, %convert_element_type3A_35, %cond3A_36 : i32
    scf.if %cond3A_37 {
      %dma_start3A = arith.constant 3 : i32
      %dma_start3A_83 = arith.constant 0 : i32
      %dma_start3A_84 = tpu.memref_slice %arg8[%dma_start3A, %dma_start3A_83] : memref<252x80xi32, #tpu.memory_space<vmem>> -> memref<1x80xi32, #tpu.memory_space<vmem>>
      %dma_start3A_85 = tpu.memref_squeeze %dma_start3A_84 : memref<1x80xi32, #tpu.memory_space<vmem>> -> memref<80xi32, #tpu.memory_space<vmem>>
      %dma_start3A_86 = arith.constant 0 : i32
      %dma_start3A_87 = arith.constant 0 : i32
      %dma_start3A_88 = tpu.memref_slice %arg3[%dma_start3A_86, %dma_start3A_87] : memref<61440x80xf32, #tpu.memory_space<hbm>> -> memref<61440x80xf32, #tpu.memory_space<hbm>>
      tpu.enqueue_indirect_dma source(%dma_start3A_88 : memref<61440x80xf32, #tpu.memory_space<hbm>>) target(%arg13 : memref<80x80xf32, #tpu.memory_space<vmem>>) offsets(%dma_start3A_85 : memref<80xi32, #tpu.memory_space<vmem>>) semaphore(%arg20 : memref<!tpu.dma_semaphore, #tpu.memory_space<semaphore_mem>>)
    } else {
    }
    %scan3A = arith.constant 0 : i32
    %scan3A_38 = arith.constant 0 : i32
    %scan3A_39 = arith.constant 42 : i32
    %scan3A_40 = arith.addi %scan3A_38, %scan3A_39 : i32
    %scan3A_41 = arith.constant 1 : i32
    scf.for %scan3A_83 = %scan3A_38 to %scan3A_40 step %scan3A_41  : i32 {
      %mul3A_84 = arith.constant 6 : i32
      %mul3A_85 = arith.muli %scan3A_83, %mul3A_84 : i32
      %add3A = arith.constant 0 : i32
      %add3A_86 = arith.addi %mul3A_85, %add3A : i32
      %add3A_87 = arith.constant 4 : i32
      %add3A_88 = arith.addi %add3A_86, %add3A_87 : i32
      %lt3A = arith.constant 252 : i32
      %lt3A_89 = arith.cmpi slt, %add3A_88, %lt3A : i32
      %convert_element_type3A_90 = arith.extui %lt3A_89 : i1 to i32
      %cond3A_91 = arith.constant 0 : i32
      %cond3A_92 = arith.cmpi ne, %convert_element_type3A_90, %cond3A_91 : i32
      scf.if %cond3A_92 {
        %ge3A = arith.constant 2 : i32
        %ge3A_219 = arith.cmpi sge, %add3A_86, %ge3A : i32
        %convert_element_type3A_220 = arith.extui %ge3A_219 : i1 to i32
        %cond3A_221 = arith.constant 0 : i32
        %cond3A_222 = arith.cmpi ne, %convert_element_type3A_220, %cond3A_221 : i32
        scf.if %cond3A_222 {
          %dma_wait3A_235 = arith.constant 0 : i32
          %dma_wait3A_236 = arith.constant 0 : i32
          %dma_wait3A_237 = tpu.memref_slice %arg16[%dma_wait3A_235, %dma_wait3A_236] : memref<10240x80xf32, #tpu.memory_space<vmem_shared>> -> memref<80x80xf32, #tpu.memory_space<vmem_shared>>
          %dma_wait3A_238 = arith.constant 0 : i32
          %dma_wait3A_239 = arith.constant 0 : i32
          %dma_wait3A_240 = tpu.memref_slice %arg16[%dma_wait3A_238, %dma_wait3A_239] : memref<10240x80xf32, #tpu.memory_space<vmem_shared>> -> memref<80x80xf32, #tpu.memory_space<vmem_shared>>
          tpu.wait_dma2 semaphore(%arg27 : memref<!tpu.dma_semaphore, #tpu.memory_space<semaphore_mem>>) src(%arg14 : memref<80x80xf32, #tpu.memory_space<vmem>>) dst(%dma_wait3A_240 : memref<80x80xf32, #tpu.memory_space<vmem_shared>>)
        } else {
        }
        %add3A_223 = arith.constant 4 : i32
        %add3A_224 = arith.addi %add3A_86, %add3A_223 : i32
        %eq3A_225 = arith.constant 0 : i32
        %eq3A_226 = arith.cmpi eq, %arg0, %eq3A_225 : i32
        %convert_element_type3A_227 = arith.extui %eq3A_226 : i1 to i32
        %cond3A_228 = arith.constant 0 : i32
        %cond3A_229 = arith.cmpi ne, %convert_element_type3A_227, %cond3A_228 : i32
        scf.if %cond3A_229 {
          %dma_start3A_235 = arith.constant 0 : i32
          %dma_start3A_236 = tpu.memref_slice %arg8[%add3A_224, %dma_start3A_235] : memref<252x80xi32, #tpu.memory_space<vmem>> -> memref<1x80xi32, #tpu.memory_space<vmem>>
          %dma_start3A_237 = tpu.memref_squeeze %dma_start3A_236 : memref<1x80xi32, #tpu.memory_space<vmem>> -> memref<80xi32, #tpu.memory_space<vmem>>
          %dma_start3A_238 = arith.constant 0 : i32
          %dma_start3A_239 = arith.constant 0 : i32
          %dma_start3A_240 = tpu.memref_slice %arg2[%dma_start3A_238, %dma_start3A_239] : memref<61440x80xf32, #tpu.memory_space<hbm>> -> memref<61440x80xf32, #tpu.memory_space<hbm>>
          tpu.enqueue_indirect_dma source(%dma_start3A_240 : memref<61440x80xf32, #tpu.memory_space<hbm>>) target(%arg14 : memref<80x80xf32, #tpu.memory_space<vmem>>) offsets(%dma_start3A_237 : memref<80xi32, #tpu.memory_space<vmem>>) semaphore(%arg21 : memref<!tpu.dma_semaphore, #tpu.memory_space<semaphore_mem>>)
        } else {
        }
        %eq3A_230 = arith.constant 1 : i32
        %eq3A_231 = arith.cmpi eq, %arg0, %eq3A_230 : i32
        %convert_element_type3A_232 = arith.extui %eq3A_231 : i1 to i32
        %cond3A_233 = arith.constant 0 : i32
        %cond3A_234 = arith.cmpi ne, %convert_element_type3A_232, %cond3A_233 : i32
        scf.if %cond3A_234 {
          %dma_start3A_235 = arith.constant 0 : i32
          %dma_start3A_236 = tpu.memref_slice %arg8[%add3A_224, %dma_start3A_235] : memref<252x80xi32, #tpu.memory_space<vmem>> -> memref<1x80xi32, #tpu.memory_space<vmem>>
          %dma_start3A_237 = tpu.memref_squeeze %dma_start3A_236 : memref<1x80xi32, #tpu.memory_space<vmem>> -> memref<80xi32, #tpu.memory_space<vmem>>
          %dma_start3A_238 = arith.constant 0 : i32
          %dma_start3A_239 = arith.constant 0 : i32
          %dma_start3A_240 = tpu.memref_slice %arg3[%dma_start3A_238, %dma_start3A_239] : memref<61440x80xf32, #tpu.memory_space<hbm>> -> memref<61440x80xf32, #tpu.memory_space<hbm>>
          tpu.enqueue_indirect_dma source(%dma_start3A_240 : memref<61440x80xf32, #tpu.memory_space<hbm>>) target(%arg14 : memref<80x80xf32, #tpu.memory_space<vmem>>) offsets(%dma_start3A_237 : memref<80xi32, #tpu.memory_space<vmem>>) semaphore(%arg21 : memref<!tpu.dma_semaphore, #tpu.memory_space<semaphore_mem>>)
        } else {
        }
      } else {
      }
      %dma_wait3A_93 = arith.constant 0 : i32
      %dma_wait3A_94 = arith.constant 0 : i32
      %dma_wait3A_95 = tpu.memref_slice %arg2[%dma_wait3A_93, %dma_wait3A_94] : memref<61440x80xf32, #tpu.memory_space<hbm>> -> memref<80x80xf32, #tpu.memory_space<hbm>>
      %dma_wait3A_96 = arith.constant 0 : i32
      %dma_wait3A_97 = arith.constant 0 : i32
      %dma_wait3A_98 = tpu.memref_slice %arg2[%dma_wait3A_96, %dma_wait3A_97] : memref<61440x80xf32, #tpu.memory_space<hbm>> -> memref<80x80xf32, #tpu.memory_space<hbm>>
      tpu.wait_dma2 semaphore(%arg17 : memref<!tpu.dma_semaphore, #tpu.memory_space<semaphore_mem>>) src(%dma_wait3A_98 : memref<80x80xf32, #tpu.memory_space<hbm>>) dst(%arg10 : memref<80x80xf32, #tpu.memory_space<vmem>>)
      %dma_start3A = arith.constant 0 : i32
      %dma_start3A_99 = tpu.memref_slice %arg9[%add3A_86, %dma_start3A] : memref<252x80xi32, #tpu.memory_space<vmem>> -> memref<1x80xi32, #tpu.memory_space<vmem>>
      %dma_start3A_100 = tpu.memref_squeeze %dma_start3A_99 : memref<1x80xi32, #tpu.memory_space<vmem>> -> memref<80xi32, #tpu.memory_space<vmem>>
      %dma_start3A_101 = arith.constant 0 : i32
      %dma_start3A_102 = arith.constant 0 : i32
      %dma_start3A_103 = tpu.memref_slice %arg16[%dma_start3A_101, %dma_start3A_102] : memref<10240x80xf32, #tpu.memory_space<vmem_shared>> -> memref<10240x80xf32, #tpu.memory_space<vmem_shared>>
      tpu.enqueue_indirect_dma source(%arg10 : memref<80x80xf32, #tpu.memory_space<vmem>>) target(%dma_start3A_103 : memref<10240x80xf32, #tpu.memory_space<vmem_shared>>) offsets(%dma_start3A_100 : memref<80xi32, #tpu.memory_space<vmem>>) semaphore(%arg23 : memref<!tpu.dma_semaphore, #tpu.memory_space<semaphore_mem>>) {add = true}
      %mul3A_104 = arith.constant 6 : i32
      %mul3A_105 = arith.muli %scan3A_83, %mul3A_104 : i32
      %add3A_106 = arith.constant 1 : i32
      %add3A_107 = arith.addi %mul3A_105, %add3A_106 : i32
      %add3A_108 = arith.constant 4 : i32
      %add3A_109 = arith.addi %add3A_107, %add3A_108 : i32
      %lt3A_110 = arith.constant 252 : i32
      %lt3A_111 = arith.cmpi slt, %add3A_109, %lt3A_110 : i32
      %convert_element_type3A_112 = arith.extui %lt3A_111 : i1 to i32
      %cond3A_113 = arith.constant 0 : i32
      %cond3A_114 = arith.cmpi ne, %convert_element_type3A_112, %cond3A_113 : i32
      scf.if %cond3A_114 {
        %ge3A = arith.constant 2 : i32
        %ge3A_219 = arith.cmpi sge, %add3A_107, %ge3A : i32
        %convert_element_type3A_220 = arith.extui %ge3A_219 : i1 to i32
        %cond3A_221 = arith.constant 0 : i32
        %cond3A_222 = arith.cmpi ne, %convert_element_type3A_220, %cond3A_221 : i32
        scf.if %cond3A_222 {
          %dma_wait3A_235 = arith.constant 0 : i32
          %dma_wait3A_236 = arith.constant 0 : i32
          %dma_wait3A_237 = tpu.memref_slice %arg16[%dma_wait3A_235, %dma_wait3A_236] : memref<10240x80xf32, #tpu.memory_space<vmem_shared>> -> memref<80x80xf32, #tpu.memory_space<vmem_shared>>
          %dma_wait3A_238 = arith.constant 0 : i32
          %dma_wait3A_239 = arith.constant 0 : i32
          %dma_wait3A_240 = tpu.memref_slice %arg16[%dma_wait3A_238, %dma_wait3A_239] : memref<10240x80xf32, #tpu.memory_space<vmem_shared>> -> memref<80x80xf32, #tpu.memory_space<vmem_shared>>
          tpu.wait_dma2 semaphore(%arg28 : memref<!tpu.dma_semaphore, #tpu.memory_space<semaphore_mem>>) src(%arg15 : memref<80x80xf32, #tpu.memory_space<vmem>>) dst(%dma_wait3A_240 : memref<80x80xf32, #tpu.memory_space<vmem_shared>>)
        } else {
        }
        %add3A_223 = arith.constant 4 : i32
        %add3A_224 = arith.addi %add3A_107, %add3A_223 : i32
        %eq3A_225 = arith.constant 0 : i32
        %eq3A_226 = arith.cmpi eq, %arg0, %eq3A_225 : i32
        %convert_element_type3A_227 = arith.extui %eq3A_226 : i1 to i32
        %cond3A_228 = arith.constant 0 : i32
        %cond3A_229 = arith.cmpi ne, %convert_element_type3A_227, %cond3A_228 : i32
        scf.if %cond3A_229 {
          %dma_start3A_235 = arith.constant 0 : i32
          %dma_start3A_236 = tpu.memref_slice %arg8[%add3A_224, %dma_start3A_235] : memref<252x80xi32, #tpu.memory_space<vmem>> -> memref<1x80xi32, #tpu.memory_space<vmem>>
          %dma_start3A_237 = tpu.memref_squeeze %dma_start3A_236 : memref<1x80xi32, #tpu.memory_space<vmem>> -> memref<80xi32, #tpu.memory_space<vmem>>
          %dma_start3A_238 = arith.constant 0 : i32
          %dma_start3A_239 = arith.constant 0 : i32
          %dma_start3A_240 = tpu.memref_slice %arg2[%dma_start3A_238, %dma_start3A_239] : memref<61440x80xf32, #tpu.memory_space<hbm>> -> memref<61440x80xf32, #tpu.memory_space<hbm>>
          tpu.enqueue_indirect_dma source(%dma_start3A_240 : memref<61440x80xf32, #tpu.memory_space<hbm>>) target(%arg15 : memref<80x80xf32, #tpu.memory_space<vmem>>) offsets(%dma_start3A_237 : memref<80xi32, #tpu.memory_space<vmem>>) semaphore(%arg22 : memref<!tpu.dma_semaphore, #tpu.memory_space<semaphore_mem>>)
        } else {
        }
        %eq3A_230 = arith.constant 1 : i32
        %eq3A_231 = arith.cmpi eq, %arg0, %eq3A_230 : i32
        %convert_element_type3A_232 = arith.extui %eq3A_231 : i1 to i32
        %cond3A_233 = arith.constant 0 : i32
        %cond3A_234 = arith.cmpi ne, %convert_element_type3A_232, %cond3A_233 : i32
        scf.if %cond3A_234 {
          %dma_start3A_235 = arith.constant 0 : i32
          %dma_start3A_236 = tpu.memref_slice %arg8[%add3A_224, %dma_start3A_235] : memref<252x80xi32, #tpu.memory_space<vmem>> -> memref<1x80xi32, #tpu.memory_space<vmem>>
          %dma_start3A_237 = tpu.memref_squeeze %dma_start3A_236 : memref<1x80xi32, #tpu.memory_space<vmem>> -> memref<80xi32, #tpu.memory_space<vmem>>
          %dma_start3A_238 = arith.constant 0 : i32
          %dma_start3A_239 = arith.constant 0 : i32
          %dma_start3A_240 = tpu.memref_slice %arg3[%dma_start3A_238, %dma_start3A_239] : memref<61440x80xf32, #tpu.memory_space<hbm>> -> memref<61440x80xf32, #tpu.memory_space<hbm>>
          tpu.enqueue_indirect_dma source(%dma_start3A_240 : memref<61440x80xf32, #tpu.memory_space<hbm>>) target(%arg15 : memref<80x80xf32, #tpu.memory_space<vmem>>) offsets(%dma_start3A_237 : memref<80xi32, #tpu.memory_space<vmem>>) semaphore(%arg22 : memref<!tpu.dma_semaphore, #tpu.memory_space<semaphore_mem>>)
        } else {
        }
      } else {
      }
      %dma_wait3A_115 = arith.constant 0 : i32
      %dma_wait3A_116 = arith.constant 0 : i32
      %dma_wait3A_117 = tpu.memref_slice %arg2[%dma_wait3A_115, %dma_wait3A_116] : memref<61440x80xf32, #tpu.memory_space<hbm>> -> memref<80x80xf32, #tpu.memory_space<hbm>>
      %dma_wait3A_118 = arith.constant 0 : i32
      %dma_wait3A_119 = arith.constant 0 : i32
      %dma_wait3A_120 = tpu.memref_slice %arg2[%dma_wait3A_118, %dma_wait3A_119] : memref<61440x80xf32, #tpu.memory_space<hbm>> -> memref<80x80xf32, #tpu.memory_space<hbm>>
      tpu.wait_dma2 semaphore(%arg18 : memref<!tpu.dma_semaphore, #tpu.memory_space<semaphore_mem>>) src(%dma_wait3A_120 : memref<80x80xf32, #tpu.memory_space<hbm>>) dst(%arg11 : memref<80x80xf32, #tpu.memory_space<vmem>>)
      %dma_start3A_121 = arith.constant 0 : i32
      %dma_start3A_122 = tpu.memref_slice %arg9[%add3A_107, %dma_start3A_121] : memref<252x80xi32, #tpu.memory_space<vmem>> -> memref<1x80xi32, #tpu.memory_space<vmem>>
      %dma_start3A_123 = tpu.memref_squeeze %dma_start3A_122 : memref<1x80xi32, #tpu.memory_space<vmem>> -> memref<80xi32, #tpu.memory_space<vmem>>
      %dma_start3A_124 = arith.constant 0 : i32
      %dma_start3A_125 = arith.constant 0 : i32
      %dma_start3A_126 = tpu.memref_slice %arg16[%dma_start3A_124, %dma_start3A_125] : memref<10240x80xf32, #tpu.memory_space<vmem_shared>> -> memref<10240x80xf32, #tpu.memory_space<vmem_shared>>
      tpu.enqueue_indirect_dma source(%arg11 : memref<80x80xf32, #tpu.memory_space<vmem>>) target(%dma_start3A_126 : memref<10240x80xf32, #tpu.memory_space<vmem_shared>>) offsets(%dma_start3A_123 : memref<80xi32, #tpu.memory_space<vmem>>) semaphore(%arg24 : memref<!tpu.dma_semaphore, #tpu.memory_space<semaphore_mem>>) {add = true}
      %mul3A_127 = arith.constant 6 : i32
      %mul3A_128 = arith.muli %scan3A_83, %mul3A_127 : i32
      %add3A_129 = arith.constant 2 : i32
      %add3A_130 = arith.addi %mul3A_128, %add3A_129 : i32
      %add3A_131 = arith.constant 4 : i32
      %add3A_132 = arith.addi %add3A_130, %add3A_131 : i32
      %lt3A_133 = arith.constant 252 : i32
      %lt3A_134 = arith.cmpi slt, %add3A_132, %lt3A_133 : i32
      %convert_element_type3A_135 = arith.extui %lt3A_134 : i1 to i32
      %cond3A_136 = arith.constant 0 : i32
      %cond3A_137 = arith.cmpi ne, %convert_element_type3A_135, %cond3A_136 : i32
      scf.if %cond3A_137 {
        %ge3A = arith.constant 2 : i32
        %ge3A_219 = arith.cmpi sge, %add3A_130, %ge3A : i32
        %convert_element_type3A_220 = arith.extui %ge3A_219 : i1 to i32
        %cond3A_221 = arith.constant 0 : i32
        %cond3A_222 = arith.cmpi ne, %convert_element_type3A_220, %cond3A_221 : i32
        scf.if %cond3A_222 {
          %dma_wait3A_235 = arith.constant 0 : i32
          %dma_wait3A_236 = arith.constant 0 : i32
          %dma_wait3A_237 = tpu.memref_slice %arg16[%dma_wait3A_235, %dma_wait3A_236] : memref<10240x80xf32, #tpu.memory_space<vmem_shared>> -> memref<80x80xf32, #tpu.memory_space<vmem_shared>>
          %dma_wait3A_238 = arith.constant 0 : i32
          %dma_wait3A_239 = arith.constant 0 : i32
          %dma_wait3A_240 = tpu.memref_slice %arg16[%dma_wait3A_238, %dma_wait3A_239] : memref<10240x80xf32, #tpu.memory_space<vmem_shared>> -> memref<80x80xf32, #tpu.memory_space<vmem_shared>>
          tpu.wait_dma2 semaphore(%arg23 : memref<!tpu.dma_semaphore, #tpu.memory_space<semaphore_mem>>) src(%arg10 : memref<80x80xf32, #tpu.memory_space<vmem>>) dst(%dma_wait3A_240 : memref<80x80xf32, #tpu.memory_space<vmem_shared>>)
        } else {
        }
        %add3A_223 = arith.constant 4 : i32
        %add3A_224 = arith.addi %add3A_130, %add3A_223 : i32
        %eq3A_225 = arith.constant 0 : i32
        %eq3A_226 = arith.cmpi eq, %arg0, %eq3A_225 : i32
        %convert_element_type3A_227 = arith.extui %eq3A_226 : i1 to i32
        %cond3A_228 = arith.constant 0 : i32
        %cond3A_229 = arith.cmpi ne, %convert_element_type3A_227, %cond3A_228 : i32
        scf.if %cond3A_229 {
          %dma_start3A_235 = arith.constant 0 : i32
          %dma_start3A_236 = tpu.memref_slice %arg8[%add3A_224, %dma_start3A_235] : memref<252x80xi32, #tpu.memory_space<vmem>> -> memref<1x80xi32, #tpu.memory_space<vmem>>
          %dma_start3A_237 = tpu.memref_squeeze %dma_start3A_236 : memref<1x80xi32, #tpu.memory_space<vmem>> -> memref<80xi32, #tpu.memory_space<vmem>>
          %dma_start3A_238 = arith.constant 0 : i32
          %dma_start3A_239 = arith.constant 0 : i32
          %dma_start3A_240 = tpu.memref_slice %arg2[%dma_start3A_238, %dma_start3A_239] : memref<61440x80xf32, #tpu.memory_space<hbm>> -> memref<61440x80xf32, #tpu.memory_space<hbm>>
          tpu.enqueue_indirect_dma source(%dma_start3A_240 : memref<61440x80xf32, #tpu.memory_space<hbm>>) target(%arg10 : memref<80x80xf32, #tpu.memory_space<vmem>>) offsets(%dma_start3A_237 : memref<80xi32, #tpu.memory_space<vmem>>) semaphore(%arg17 : memref<!tpu.dma_semaphore, #tpu.memory_space<semaphore_mem>>)
        } else {
        }
        %eq3A_230 = arith.constant 1 : i32
        %eq3A_231 = arith.cmpi eq, %arg0, %eq3A_230 : i32
        %convert_element_type3A_232 = arith.extui %eq3A_231 : i1 to i32
        %cond3A_233 = arith.constant 0 : i32
        %cond3A_234 = arith.cmpi ne, %convert_element_type3A_232, %cond3A_233 : i32
        scf.if %cond3A_234 {
          %dma_start3A_235 = arith.constant 0 : i32
          %dma_start3A_236 = tpu.memref_slice %arg8[%add3A_224, %dma_start3A_235] : memref<252x80xi32, #tpu.memory_space<vmem>> -> memref<1x80xi32, #tpu.memory_space<vmem>>
          %dma_start3A_237 = tpu.memref_squeeze %dma_start3A_236 : memref<1x80xi32, #tpu.memory_space<vmem>> -> memref<80xi32, #tpu.memory_space<vmem>>
          %dma_start3A_238 = arith.constant 0 : i32
          %dma_start3A_239 = arith.constant 0 : i32
          %dma_start3A_240 = tpu.memref_slice %arg3[%dma_start3A_238, %dma_start3A_239] : memref<61440x80xf32, #tpu.memory_space<hbm>> -> memref<61440x80xf32, #tpu.memory_space<hbm>>
          tpu.enqueue_indirect_dma source(%dma_start3A_240 : memref<61440x80xf32, #tpu.memory_space<hbm>>) target(%arg10 : memref<80x80xf32, #tpu.memory_space<vmem>>) offsets(%dma_start3A_237 : memref<80xi32, #tpu.memory_space<vmem>>) semaphore(%arg17 : memref<!tpu.dma_semaphore, #tpu.memory_space<semaphore_mem>>)
        } else {
        }
      } else {
      }
      %dma_wait3A_138 = arith.constant 0 : i32
      %dma_wait3A_139 = arith.constant 0 : i32
      %dma_wait3A_140 = tpu.memref_slice %arg2[%dma_wait3A_138, %dma_wait3A_139] : memref<61440x80xf32, #tpu.memory_space<hbm>> -> memref<80x80xf32, #tpu.memory_space<hbm>>
      %dma_wait3A_141 = arith.constant 0 : i32
      %dma_wait3A_142 = arith.constant 0 : i32
      %dma_wait3A_143 = tpu.memref_slice %arg2[%dma_wait3A_141, %dma_wait3A_142] : memref<61440x80xf32, #tpu.memory_space<hbm>> -> memref<80x80xf32, #tpu.memory_space<hbm>>
      tpu.wait_dma2 semaphore(%arg19 : memref<!tpu.dma_semaphore, #tpu.memory_space<semaphore_mem>>) src(%dma_wait3A_143 : memref<80x80xf32, #tpu.memory_space<hbm>>) dst(%arg12 : memref<80x80xf32, #tpu.memory_space<vmem>>)
      %dma_start3A_144 = arith.constant 0 : i32
      %dma_start3A_145 = tpu.memref_slice %arg9[%add3A_130, %dma_start3A_144] : memref<252x80xi32, #tpu.memory_space<vmem>> -> memref<1x80xi32, #tpu.memory_space<vmem>>
      %dma_start3A_146 = tpu.memref_squeeze %dma_start3A_145 : memref<1x80xi32, #tpu.memory_space<vmem>> -> memref<80xi32, #tpu.memory_space<vmem>>
      %dma_start3A_147 = arith.constant 0 : i32
      %dma_start3A_148 = arith.constant 0 : i32
      %dma_start3A_149 = tpu.memref_slice %arg16[%dma_start3A_147, %dma_start3A_148] : memref<10240x80xf32, #tpu.memory_space<vmem_shared>> -> memref<10240x80xf32, #tpu.memory_space<vmem_shared>>
      tpu.enqueue_indirect_dma source(%arg12 : memref<80x80xf32, #tpu.memory_space<vmem>>) target(%dma_start3A_149 : memref<10240x80xf32, #tpu.memory_space<vmem_shared>>) offsets(%dma_start3A_146 : memref<80xi32, #tpu.memory_space<vmem>>) semaphore(%arg25 : memref<!tpu.dma_semaphore, #tpu.memory_space<semaphore_mem>>) {add = true}
      %mul3A_150 = arith.constant 6 : i32
      %mul3A_151 = arith.muli %scan3A_83, %mul3A_150 : i32
      %add3A_152 = arith.constant 3 : i32
      %add3A_153 = arith.addi %mul3A_151, %add3A_152 : i32
      %add3A_154 = arith.constant 4 : i32
      %add3A_155 = arith.addi %add3A_153, %add3A_154 : i32
      %lt3A_156 = arith.constant 252 : i32
      %lt3A_157 = arith.cmpi slt, %add3A_155, %lt3A_156 : i32
      %convert_element_type3A_158 = arith.extui %lt3A_157 : i1 to i32
      %cond3A_159 = arith.constant 0 : i32
      %cond3A_160 = arith.cmpi ne, %convert_element_type3A_158, %cond3A_159 : i32
      scf.if %cond3A_160 {
        %ge3A = arith.constant 2 : i32
        %ge3A_219 = arith.cmpi sge, %add3A_153, %ge3A : i32
        %convert_element_type3A_220 = arith.extui %ge3A_219 : i1 to i32
        %cond3A_221 = arith.constant 0 : i32
        %cond3A_222 = arith.cmpi ne, %convert_element_type3A_220, %cond3A_221 : i32
        scf.if %cond3A_222 {
          %dma_wait3A_235 = arith.constant 0 : i32
          %dma_wait3A_236 = arith.constant 0 : i32
          %dma_wait3A_237 = tpu.memref_slice %arg16[%dma_wait3A_235, %dma_wait3A_236] : memref<10240x80xf32, #tpu.memory_space<vmem_shared>> -> memref<80x80xf32, #tpu.memory_space<vmem_shared>>
          %dma_wait3A_238 = arith.constant 0 : i32
          %dma_wait3A_239 = arith.constant 0 : i32
          %dma_wait3A_240 = tpu.memref_slice %arg16[%dma_wait3A_238, %dma_wait3A_239] : memref<10240x80xf32, #tpu.memory_space<vmem_shared>> -> memref<80x80xf32, #tpu.memory_space<vmem_shared>>
          tpu.wait_dma2 semaphore(%arg24 : memref<!tpu.dma_semaphore, #tpu.memory_space<semaphore_mem>>) src(%arg11 : memref<80x80xf32, #tpu.memory_space<vmem>>) dst(%dma_wait3A_240 : memref<80x80xf32, #tpu.memory_space<vmem_shared>>)
        } else {
        }
        %add3A_223 = arith.constant 4 : i32
        %add3A_224 = arith.addi %add3A_153, %add3A_223 : i32
        %eq3A_225 = arith.constant 0 : i32
        %eq3A_226 = arith.cmpi eq, %arg0, %eq3A_225 : i32
        %convert_element_type3A_227 = arith.extui %eq3A_226 : i1 to i32
        %cond3A_228 = arith.constant 0 : i32
        %cond3A_229 = arith.cmpi ne, %convert_element_type3A_227, %cond3A_228 : i32
        scf.if %cond3A_229 {
          %dma_start3A_235 = arith.constant 0 : i32
          %dma_start3A_236 = tpu.memref_slice %arg8[%add3A_224, %dma_start3A_235] : memref<252x80xi32, #tpu.memory_space<vmem>> -> memref<1x80xi32, #tpu.memory_space<vmem>>
          %dma_start3A_237 = tpu.memref_squeeze %dma_start3A_236 : memref<1x80xi32, #tpu.memory_space<vmem>> -> memref<80xi32, #tpu.memory_space<vmem>>
          %dma_start3A_238 = arith.constant 0 : i32
          %dma_start3A_239 = arith.constant 0 : i32
          %dma_start3A_240 = tpu.memref_slice %arg2[%dma_start3A_238, %dma_start3A_239] : memref<61440x80xf32, #tpu.memory_space<hbm>> -> memref<61440x80xf32, #tpu.memory_space<hbm>>
          tpu.enqueue_indirect_dma source(%dma_start3A_240 : memref<61440x80xf32, #tpu.memory_space<hbm>>) target(%arg11 : memref<80x80xf32, #tpu.memory_space<vmem>>) offsets(%dma_start3A_237 : memref<80xi32, #tpu.memory_space<vmem>>) semaphore(%arg18 : memref<!tpu.dma_semaphore, #tpu.memory_space<semaphore_mem>>)
        } else {
        }
        %eq3A_230 = arith.constant 1 : i32
        %eq3A_231 = arith.cmpi eq, %arg0, %eq3A_230 : i32
        %convert_element_type3A_232 = arith.extui %eq3A_231 : i1 to i32
        %cond3A_233 = arith.constant 0 : i32
        %cond3A_234 = arith.cmpi ne, %convert_element_type3A_232, %cond3A_233 : i32
        scf.if %cond3A_234 {
          %dma_start3A_235 = arith.constant 0 : i32
          %dma_start3A_236 = tpu.memref_slice %arg8[%add3A_224, %dma_start3A_235] : memref<252x80xi32, #tpu.memory_space<vmem>> -> memref<1x80xi32, #tpu.memory_space<vmem>>
          %dma_start3A_237 = tpu.memref_squeeze %dma_start3A_236 : memref<1x80xi32, #tpu.memory_space<vmem>> -> memref<80xi32, #tpu.memory_space<vmem>>
          %dma_start3A_238 = arith.constant 0 : i32
          %dma_start3A_239 = arith.constant 0 : i32
          %dma_start3A_240 = tpu.memref_slice %arg3[%dma_start3A_238, %dma_start3A_239] : memref<61440x80xf32, #tpu.memory_space<hbm>> -> memref<61440x80xf32, #tpu.memory_space<hbm>>
          tpu.enqueue_indirect_dma source(%dma_start3A_240 : memref<61440x80xf32, #tpu.memory_space<hbm>>) target(%arg11 : memref<80x80xf32, #tpu.memory_space<vmem>>) offsets(%dma_start3A_237 : memref<80xi32, #tpu.memory_space<vmem>>) semaphore(%arg18 : memref<!tpu.dma_semaphore, #tpu.memory_space<semaphore_mem>>)
        } else {
        }
      } else {
      }
      %dma_wait3A_161 = arith.constant 0 : i32
      %dma_wait3A_162 = arith.constant 0 : i32
      %dma_wait3A_163 = tpu.memref_slice %arg2[%dma_wait3A_161, %dma_wait3A_162] : memref<61440x80xf32, #tpu.memory_space<hbm>> -> memref<80x80xf32, #tpu.memory_space<hbm>>
      %dma_wait3A_164 = arith.constant 0 : i32
      %dma_wait3A_165 = arith.constant 0 : i32
      %dma_wait3A_166 = tpu.memref_slice %arg2[%dma_wait3A_164, %dma_wait3A_165] : memref<61440x80xf32, #tpu.memory_space<hbm>> -> memref<80x80xf32, #tpu.memory_space<hbm>>
      tpu.wait_dma2 semaphore(%arg20 : memref<!tpu.dma_semaphore, #tpu.memory_space<semaphore_mem>>) src(%dma_wait3A_166 : memref<80x80xf32, #tpu.memory_space<hbm>>) dst(%arg13 : memref<80x80xf32, #tpu.memory_space<vmem>>)
      %dma_start3A_167 = arith.constant 0 : i32
      %dma_start3A_168 = tpu.memref_slice %arg9[%add3A_153, %dma_start3A_167] : memref<252x80xi32, #tpu.memory_space<vmem>> -> memref<1x80xi32, #tpu.memory_space<vmem>>
      %dma_start3A_169 = tpu.memref_squeeze %dma_start3A_168 : memref<1x80xi32, #tpu.memory_space<vmem>> -> memref<80xi32, #tpu.memory_space<vmem>>
      %dma_start3A_170 = arith.constant 0 : i32
      %dma_start3A_171 = arith.constant 0 : i32
      %dma_start3A_172 = tpu.memref_slice %arg16[%dma_start3A_170, %dma_start3A_171] : memref<10240x80xf32, #tpu.memory_space<vmem_shared>> -> memref<10240x80xf32, #tpu.memory_space<vmem_shared>>
      tpu.enqueue_indirect_dma source(%arg13 : memref<80x80xf32, #tpu.memory_space<vmem>>) target(%dma_start3A_172 : memref<10240x80xf32, #tpu.memory_space<vmem_shared>>) offsets(%dma_start3A_169 : memref<80xi32, #tpu.memory_space<vmem>>) semaphore(%arg26 : memref<!tpu.dma_semaphore, #tpu.memory_space<semaphore_mem>>) {add = true}
      %mul3A_173 = arith.constant 6 : i32
      %mul3A_174 = arith.muli %scan3A_83, %mul3A_173 : i32
      %add3A_175 = arith.constant 4 : i32
      %add3A_176 = arith.addi %mul3A_174, %add3A_175 : i32
      %add3A_177 = arith.constant 4 : i32
      %add3A_178 = arith.addi %add3A_176, %add3A_177 : i32
      %lt3A_179 = arith.constant 252 : i32
      %lt3A_180 = arith.cmpi slt, %add3A_178, %lt3A_179 : i32
      %convert_element_type3A_181 = arith.extui %lt3A_180 : i1 to i32
      %cond3A_182 = arith.constant 0 : i32
      %cond3A_183 = arith.cmpi ne, %convert_element_type3A_181, %cond3A_182 : i32
      scf.if %cond3A_183 {
        %ge3A = arith.constant 2 : i32
        %ge3A_219 = arith.cmpi sge, %add3A_176, %ge3A : i32
        %convert_element_type3A_220 = arith.extui %ge3A_219 : i1 to i32
        %cond3A_221 = arith.constant 0 : i32
        %cond3A_222 = arith.cmpi ne, %convert_element_type3A_220, %cond3A_221 : i32
        scf.if %cond3A_222 {
          %dma_wait3A_235 = arith.constant 0 : i32
          %dma_wait3A_236 = arith.constant 0 : i32
          %dma_wait3A_237 = tpu.memref_slice %arg16[%dma_wait3A_235, %dma_wait3A_236] : memref<10240x80xf32, #tpu.memory_space<vmem_shared>> -> memref<80x80xf32, #tpu.memory_space<vmem_shared>>
          %dma_wait3A_238 = arith.constant 0 : i32
          %dma_wait3A_239 = arith.constant 0 : i32
          %dma_wait3A_240 = tpu.memref_slice %arg16[%dma_wait3A_238, %dma_wait3A_239] : memref<10240x80xf32, #tpu.memory_space<vmem_shared>> -> memref<80x80xf32, #tpu.memory_space<vmem_shared>>
          tpu.wait_dma2 semaphore(%arg25 : memref<!tpu.dma_semaphore, #tpu.memory_space<semaphore_mem>>) src(%arg12 : memref<80x80xf32, #tpu.memory_space<vmem>>) dst(%dma_wait3A_240 : memref<80x80xf32, #tpu.memory_space<vmem_shared>>)
        } else {
        }
        %add3A_223 = arith.constant 4 : i32
        %add3A_224 = arith.addi %add3A_176, %add3A_223 : i32
        %eq3A_225 = arith.constant 0 : i32
        %eq3A_226 = arith.cmpi eq, %arg0, %eq3A_225 : i32
        %convert_element_type3A_227 = arith.extui %eq3A_226 : i1 to i32
        %cond3A_228 = arith.constant 0 : i32
        %cond3A_229 = arith.cmpi ne, %convert_element_type3A_227, %cond3A_228 : i32
        scf.if %cond3A_229 {
          %dma_start3A_235 = arith.constant 0 : i32
          %dma_start3A_236 = tpu.memref_slice %arg8[%add3A_224, %dma_start3A_235] : memref<252x80xi32, #tpu.memory_space<vmem>> -> memref<1x80xi32, #tpu.memory_space<vmem>>
          %dma_start3A_237 = tpu.memref_squeeze %dma_start3A_236 : memref<1x80xi32, #tpu.memory_space<vmem>> -> memref<80xi32, #tpu.memory_space<vmem>>
          %dma_start3A_238 = arith.constant 0 : i32
          %dma_start3A_239 = arith.constant 0 : i32
          %dma_start3A_240 = tpu.memref_slice %arg2[%dma_start3A_238, %dma_start3A_239] : memref<61440x80xf32, #tpu.memory_space<hbm>> -> memref<61440x80xf32, #tpu.memory_space<hbm>>
          tpu.enqueue_indirect_dma source(%dma_start3A_240 : memref<61440x80xf32, #tpu.memory_space<hbm>>) target(%arg12 : memref<80x80xf32, #tpu.memory_space<vmem>>) offsets(%dma_start3A_237 : memref<80xi32, #tpu.memory_space<vmem>>) semaphore(%arg19 : memref<!tpu.dma_semaphore, #tpu.memory_space<semaphore_mem>>)
        } else {
        }
        %eq3A_230 = arith.constant 1 : i32
        %eq3A_231 = arith.cmpi eq, %arg0, %eq3A_230 : i32
        %convert_element_type3A_232 = arith.extui %eq3A_231 : i1 to i32
        %cond3A_233 = arith.constant 0 : i32
        %cond3A_234 = arith.cmpi ne, %convert_element_type3A_232, %cond3A_233 : i32
        scf.if %cond3A_234 {
          %dma_start3A_235 = arith.constant 0 : i32
          %dma_start3A_236 = tpu.memref_slice %arg8[%add3A_224, %dma_start3A_235] : memref<252x80xi32, #tpu.memory_space<vmem>> -> memref<1x80xi32, #tpu.memory_space<vmem>>
          %dma_start3A_237 = tpu.memref_squeeze %dma_start3A_236 : memref<1x80xi32, #tpu.memory_space<vmem>> -> memref<80xi32, #tpu.memory_space<vmem>>
          %dma_start3A_238 = arith.constant 0 : i32
          %dma_start3A_239 = arith.constant 0 : i32
          %dma_start3A_240 = tpu.memref_slice %arg3[%dma_start3A_238, %dma_start3A_239] : memref<61440x80xf32, #tpu.memory_space<hbm>> -> memref<61440x80xf32, #tpu.memory_space<hbm>>
          tpu.enqueue_indirect_dma source(%dma_start3A_240 : memref<61440x80xf32, #tpu.memory_space<hbm>>) target(%arg12 : memref<80x80xf32, #tpu.memory_space<vmem>>) offsets(%dma_start3A_237 : memref<80xi32, #tpu.memory_space<vmem>>) semaphore(%arg19 : memref<!tpu.dma_semaphore, #tpu.memory_space<semaphore_mem>>)
        } else {
        }
      } else {
      }
      %dma_wait3A_184 = arith.constant 0 : i32
      %dma_wait3A_185 = arith.constant 0 : i32
      %dma_wait3A_186 = tpu.memref_slice %arg2[%dma_wait3A_184, %dma_wait3A_185] : memref<61440x80xf32, #tpu.memory_space<hbm>> -> memref<80x80xf32, #tpu.memory_space<hbm>>
      %dma_wait3A_187 = arith.constant 0 : i32
      %dma_wait3A_188 = arith.constant 0 : i32
      %dma_wait3A_189 = tpu.memref_slice %arg2[%dma_wait3A_187, %dma_wait3A_188] : memref<61440x80xf32, #tpu.memory_space<hbm>> -> memref<80x80xf32, #tpu.memory_space<hbm>>
      tpu.wait_dma2 semaphore(%arg21 : memref<!tpu.dma_semaphore, #tpu.memory_space<semaphore_mem>>) src(%dma_wait3A_189 : memref<80x80xf32, #tpu.memory_space<hbm>>) dst(%arg14 : memref<80x80xf32, #tpu.memory_space<vmem>>)
      %dma_start3A_190 = arith.constant 0 : i32
      %dma_start3A_191 = tpu.memref_slice %arg9[%add3A_176, %dma_start3A_190] : memref<252x80xi32, #tpu.memory_space<vmem>> -> memref<1x80xi32, #tpu.memory_space<vmem>>
      %dma_start3A_192 = tpu.memref_squeeze %dma_start3A_191 : memref<1x80xi32, #tpu.memory_space<vmem>> -> memref<80xi32, #tpu.memory_space<vmem>>
      %dma_start3A_193 = arith.constant 0 : i32
      %dma_start3A_194 = arith.constant 0 : i32
      %dma_start3A_195 = tpu.memref_slice %arg16[%dma_start3A_193, %dma_start3A_194] : memref<10240x80xf32, #tpu.memory_space<vmem_shared>> -> memref<10240x80xf32, #tpu.memory_space<vmem_shared>>
      tpu.enqueue_indirect_dma source(%arg14 : memref<80x80xf32, #tpu.memory_space<vmem>>) target(%dma_start3A_195 : memref<10240x80xf32, #tpu.memory_space<vmem_shared>>) offsets(%dma_start3A_192 : memref<80xi32, #tpu.memory_space<vmem>>) semaphore(%arg27 : memref<!tpu.dma_semaphore, #tpu.memory_space<semaphore_mem>>) {add = true}
      %mul3A_196 = arith.constant 6 : i32
      %mul3A_197 = arith.muli %scan3A_83, %mul3A_196 : i32
      %add3A_198 = arith.constant 5 : i32
      %add3A_199 = arith.addi %mul3A_197, %add3A_198 : i32
      %add3A_200 = arith.constant 4 : i32
      %add3A_201 = arith.addi %add3A_199, %add3A_200 : i32
      %lt3A_202 = arith.constant 252 : i32
      %lt3A_203 = arith.cmpi slt, %add3A_201, %lt3A_202 : i32
      %convert_element_type3A_204 = arith.extui %lt3A_203 : i1 to i32
      %cond3A_205 = arith.constant 0 : i32
      %cond3A_206 = arith.cmpi ne, %convert_element_type3A_204, %cond3A_205 : i32
      scf.if %cond3A_206 {
        %ge3A = arith.constant 2 : i32
        %ge3A_219 = arith.cmpi sge, %add3A_199, %ge3A : i32
        %convert_element_type3A_220 = arith.extui %ge3A_219 : i1 to i32
        %cond3A_221 = arith.constant 0 : i32
        %cond3A_222 = arith.cmpi ne, %convert_element_type3A_220, %cond3A_221 : i32
        scf.if %cond3A_222 {
          %dma_wait3A_235 = arith.constant 0 : i32
          %dma_wait3A_236 = arith.constant 0 : i32
          %dma_wait3A_237 = tpu.memref_slice %arg16[%dma_wait3A_235, %dma_wait3A_236] : memref<10240x80xf32, #tpu.memory_space<vmem_shared>> -> memref<80x80xf32, #tpu.memory_space<vmem_shared>>
          %dma_wait3A_238 = arith.constant 0 : i32
          %dma_wait3A_239 = arith.constant 0 : i32
          %dma_wait3A_240 = tpu.memref_slice %arg16[%dma_wait3A_238, %dma_wait3A_239] : memref<10240x80xf32, #tpu.memory_space<vmem_shared>> -> memref<80x80xf32, #tpu.memory_space<vmem_shared>>
          tpu.wait_dma2 semaphore(%arg26 : memref<!tpu.dma_semaphore, #tpu.memory_space<semaphore_mem>>) src(%arg13 : memref<80x80xf32, #tpu.memory_space<vmem>>) dst(%dma_wait3A_240 : memref<80x80xf32, #tpu.memory_space<vmem_shared>>)
        } else {
        }
        %add3A_223 = arith.constant 4 : i32
        %add3A_224 = arith.addi %add3A_199, %add3A_223 : i32
        %eq3A_225 = arith.constant 0 : i32
        %eq3A_226 = arith.cmpi eq, %arg0, %eq3A_225 : i32
        %convert_element_type3A_227 = arith.extui %eq3A_226 : i1 to i32
        %cond3A_228 = arith.constant 0 : i32
        %cond3A_229 = arith.cmpi ne, %convert_element_type3A_227, %cond3A_228 : i32
        scf.if %cond3A_229 {
          %dma_start3A_235 = arith.constant 0 : i32
          %dma_start3A_236 = tpu.memref_slice %arg8[%add3A_224, %dma_start3A_235] : memref<252x80xi32, #tpu.memory_space<vmem>> -> memref<1x80xi32, #tpu.memory_space<vmem>>
          %dma_start3A_237 = tpu.memref_squeeze %dma_start3A_236 : memref<1x80xi32, #tpu.memory_space<vmem>> -> memref<80xi32, #tpu.memory_space<vmem>>
          %dma_start3A_238 = arith.constant 0 : i32
          %dma_start3A_239 = arith.constant 0 : i32
          %dma_start3A_240 = tpu.memref_slice %arg2[%dma_start3A_238, %dma_start3A_239] : memref<61440x80xf32, #tpu.memory_space<hbm>> -> memref<61440x80xf32, #tpu.memory_space<hbm>>
          tpu.enqueue_indirect_dma source(%dma_start3A_240 : memref<61440x80xf32, #tpu.memory_space<hbm>>) target(%arg13 : memref<80x80xf32, #tpu.memory_space<vmem>>) offsets(%dma_start3A_237 : memref<80xi32, #tpu.memory_space<vmem>>) semaphore(%arg20 : memref<!tpu.dma_semaphore, #tpu.memory_space<semaphore_mem>>)
        } else {
        }
        %eq3A_230 = arith.constant 1 : i32
        %eq3A_231 = arith.cmpi eq, %arg0, %eq3A_230 : i32
        %convert_element_type3A_232 = arith.extui %eq3A_231 : i1 to i32
        %cond3A_233 = arith.constant 0 : i32
        %cond3A_234 = arith.cmpi ne, %convert_element_type3A_232, %cond3A_233 : i32
        scf.if %cond3A_234 {
          %dma_start3A_235 = arith.constant 0 : i32
          %dma_start3A_236 = tpu.memref_slice %arg8[%add3A_224, %dma_start3A_235] : memref<252x80xi32, #tpu.memory_space<vmem>> -> memref<1x80xi32, #tpu.memory_space<vmem>>
          %dma_start3A_237 = tpu.memref_squeeze %dma_start3A_236 : memref<1x80xi32, #tpu.memory_space<vmem>> -> memref<80xi32, #tpu.memory_space<vmem>>
          %dma_start3A_238 = arith.constant 0 : i32
          %dma_start3A_239 = arith.constant 0 : i32
          %dma_start3A_240 = tpu.memref_slice %arg3[%dma_start3A_238, %dma_start3A_239] : memref<61440x80xf32, #tpu.memory_space<hbm>> -> memref<61440x80xf32, #tpu.memory_space<hbm>>
          tpu.enqueue_indirect_dma source(%dma_start3A_240 : memref<61440x80xf32, #tpu.memory_space<hbm>>) target(%arg13 : memref<80x80xf32, #tpu.memory_space<vmem>>) offsets(%dma_start3A_237 : memref<80xi32, #tpu.memory_space<vmem>>) semaphore(%arg20 : memref<!tpu.dma_semaphore, #tpu.memory_space<semaphore_mem>>)
        } else {
        }
      } else {
      }
      %dma_wait3A_207 = arith.constant 0 : i32
      %dma_wait3A_208 = arith.constant 0 : i32
      %dma_wait3A_209 = tpu.memref_slice %arg2[%dma_wait3A_207, %dma_wait3A_208] : memref<61440x80xf32, #tpu.memory_space<hbm>> -> memref<80x80xf32, #tpu.memory_space<hbm>>
      %dma_wait3A_210 = arith.constant 0 : i32
      %dma_wait3A_211 = arith.constant 0 : i32
      %dma_wait3A_212 = tpu.memref_slice %arg2[%dma_wait3A_210, %dma_wait3A_211] : memref<61440x80xf32, #tpu.memory_space<hbm>> -> memref<80x80xf32, #tpu.memory_space<hbm>>
      tpu.wait_dma2 semaphore(%arg22 : memref<!tpu.dma_semaphore, #tpu.memory_space<semaphore_mem>>) src(%dma_wait3A_212 : memref<80x80xf32, #tpu.memory_space<hbm>>) dst(%arg15 : memref<80x80xf32, #tpu.memory_space<vmem>>)
      %dma_start3A_213 = arith.constant 0 : i32
      %dma_start3A_214 = tpu.memref_slice %arg9[%add3A_199, %dma_start3A_213] : memref<252x80xi32, #tpu.memory_space<vmem>> -> memref<1x80xi32, #tpu.memory_space<vmem>>
      %dma_start3A_215 = tpu.memref_squeeze %dma_start3A_214 : memref<1x80xi32, #tpu.memory_space<vmem>> -> memref<80xi32, #tpu.memory_space<vmem>>
      %dma_start3A_216 = arith.constant 0 : i32
      %dma_start3A_217 = arith.constant 0 : i32
      %dma_start3A_218 = tpu.memref_slice %arg16[%dma_start3A_216, %dma_start3A_217] : memref<10240x80xf32, #tpu.memory_space<vmem_shared>> -> memref<10240x80xf32, #tpu.memory_space<vmem_shared>>
      tpu.enqueue_indirect_dma source(%arg15 : memref<80x80xf32, #tpu.memory_space<vmem>>) target(%dma_start3A_218 : memref<10240x80xf32, #tpu.memory_space<vmem_shared>>) offsets(%dma_start3A_215 : memref<80xi32, #tpu.memory_space<vmem>>) semaphore(%arg28 : memref<!tpu.dma_semaphore, #tpu.memory_space<semaphore_mem>>) {add = true}
    }
    %scan3A_42 = arith.constant 42 : i32
    %dma_wait3A = arith.constant 0 : i32
    %dma_wait3A_43 = arith.constant 0 : i32
    %dma_wait3A_44 = tpu.memref_slice %arg16[%dma_wait3A, %dma_wait3A_43] : memref<10240x80xf32, #tpu.memory_space<vmem_shared>> -> memref<80x80xf32, #tpu.memory_space<vmem_shared>>
    %dma_wait3A_45 = arith.constant 0 : i32
    %dma_wait3A_46 = arith.constant 0 : i32
    %dma_wait3A_47 = tpu.memref_slice %arg16[%dma_wait3A_45, %dma_wait3A_46] : memref<10240x80xf32, #tpu.memory_space<vmem_shared>> -> memref<80x80xf32, #tpu.memory_space<vmem_shared>>
    tpu.wait_dma2 semaphore(%arg23 : memref<!tpu.dma_semaphore, #tpu.memory_space<semaphore_mem>>) src(%arg10 : memref<80x80xf32, #tpu.memory_space<vmem>>) dst(%dma_wait3A_47 : memref<80x80xf32, #tpu.memory_space<vmem_shared>>)
    %dma_wait3A_48 = arith.constant 0 : i32
    %dma_wait3A_49 = arith.constant 0 : i32
    %dma_wait3A_50 = tpu.memref_slice %arg16[%dma_wait3A_48, %dma_wait3A_49] : memref<10240x80xf32, #tpu.memory_space<vmem_shared>> -> memref<80x80xf32, #tpu.memory_space<vmem_shared>>
    %dma_wait3A_51 = arith.constant 0 : i32
    %dma_wait3A_52 = arith.constant 0 : i32
    %dma_wait3A_53 = tpu.memref_slice %arg16[%dma_wait3A_51, %dma_wait3A_52] : memref<10240x80xf32, #tpu.memory_space<vmem_shared>> -> memref<80x80xf32, #tpu.memory_space<vmem_shared>>
    tpu.wait_dma2 semaphore(%arg24 : memref<!tpu.dma_semaphore, #tpu.memory_space<semaphore_mem>>) src(%arg11 : memref<80x80xf32, #tpu.memory_space<vmem>>) dst(%dma_wait3A_53 : memref<80x80xf32, #tpu.memory_space<vmem_shared>>)
    %dma_wait3A_54 = arith.constant 0 : i32
    %dma_wait3A_55 = arith.constant 0 : i32
    %dma_wait3A_56 = tpu.memref_slice %arg16[%dma_wait3A_54, %dma_wait3A_55] : memref<10240x80xf32, #tpu.memory_space<vmem_shared>> -> memref<80x80xf32, #tpu.memory_space<vmem_shared>>
    %dma_wait3A_57 = arith.constant 0 : i32
    %dma_wait3A_58 = arith.constant 0 : i32
    %dma_wait3A_59 = tpu.memref_slice %arg16[%dma_wait3A_57, %dma_wait3A_58] : memref<10240x80xf32, #tpu.memory_space<vmem_shared>> -> memref<80x80xf32, #tpu.memory_space<vmem_shared>>
    tpu.wait_dma2 semaphore(%arg25 : memref<!tpu.dma_semaphore, #tpu.memory_space<semaphore_mem>>) src(%arg12 : memref<80x80xf32, #tpu.memory_space<vmem>>) dst(%dma_wait3A_59 : memref<80x80xf32, #tpu.memory_space<vmem_shared>>)
    %dma_wait3A_60 = arith.constant 0 : i32
    %dma_wait3A_61 = arith.constant 0 : i32
    %dma_wait3A_62 = tpu.memref_slice %arg16[%dma_wait3A_60, %dma_wait3A_61] : memref<10240x80xf32, #tpu.memory_space<vmem_shared>> -> memref<80x80xf32, #tpu.memory_space<vmem_shared>>
    %dma_wait3A_63 = arith.constant 0 : i32
    %dma_wait3A_64 = arith.constant 0 : i32
    %dma_wait3A_65 = tpu.memref_slice %arg16[%dma_wait3A_63, %dma_wait3A_64] : memref<10240x80xf32, #tpu.memory_space<vmem_shared>> -> memref<80x80xf32, #tpu.memory_space<vmem_shared>>
    tpu.wait_dma2 semaphore(%arg26 : memref<!tpu.dma_semaphore, #tpu.memory_space<semaphore_mem>>) src(%arg13 : memref<80x80xf32, #tpu.memory_space<vmem>>) dst(%dma_wait3A_65 : memref<80x80xf32, #tpu.memory_space<vmem_shared>>)
    %dma_wait3A_66 = arith.constant 0 : i32
    %dma_wait3A_67 = arith.constant 0 : i32
    %dma_wait3A_68 = tpu.memref_slice %arg16[%dma_wait3A_66, %dma_wait3A_67] : memref<10240x80xf32, #tpu.memory_space<vmem_shared>> -> memref<80x80xf32, #tpu.memory_space<vmem_shared>>
    %dma_wait3A_69 = arith.constant 0 : i32
    %dma_wait3A_70 = arith.constant 0 : i32
    %dma_wait3A_71 = tpu.memref_slice %arg16[%dma_wait3A_69, %dma_wait3A_70] : memref<10240x80xf32, #tpu.memory_space<vmem_shared>> -> memref<80x80xf32, #tpu.memory_space<vmem_shared>>
    tpu.wait_dma2 semaphore(%arg27 : memref<!tpu.dma_semaphore, #tpu.memory_space<semaphore_mem>>) src(%arg14 : memref<80x80xf32, #tpu.memory_space<vmem>>) dst(%dma_wait3A_71 : memref<80x80xf32, #tpu.memory_space<vmem_shared>>)
    %dma_wait3A_72 = arith.constant 0 : i32
    %dma_wait3A_73 = arith.constant 0 : i32
    %dma_wait3A_74 = tpu.memref_slice %arg16[%dma_wait3A_72, %dma_wait3A_73] : memref<10240x80xf32, #tpu.memory_space<vmem_shared>> -> memref<80x80xf32, #tpu.memory_space<vmem_shared>>
    %dma_wait3A_75 = arith.constant 0 : i32
    %dma_wait3A_76 = arith.constant 0 : i32
    %dma_wait3A_77 = tpu.memref_slice %arg16[%dma_wait3A_75, %dma_wait3A_76] : memref<10240x80xf32, #tpu.memory_space<vmem_shared>> -> memref<80x80xf32, #tpu.memory_space<vmem_shared>>
    tpu.wait_dma2 semaphore(%arg28 : memref<!tpu.dma_semaphore, #tpu.memory_space<semaphore_mem>>) src(%arg15 : memref<80x80xf32, #tpu.memory_space<vmem>>) dst(%dma_wait3A_77 : memref<80x80xf32, #tpu.memory_space<vmem_shared>>)
    %barrier3A_78 = arith.constant 0 : index
    tpu.barrier barrier_id(%barrier3A_78)
    %mul3A_79 = arith.constant 640 : i32
    %mul3A_80 = arith.muli %arg1, %mul3A_79 : i32
    %mul3A_81 = arith.constant 640 : i32
    %mul3A_82 = arith.muli %arg1, %mul3A_81 : i32
    "tpu.region"() ({
      %run_scoped3A = tpu.sem_alloc : memref<!tpu.dma_semaphore, #tpu.memory_space<semaphore_mem>>
      %dma_start3A = arith.constant 0 : i32
      %dma_start3A_83 = tpu.memref_slice %arg7[%arg0, %mul3A_82, %dma_start3A] : memref<2x10240x80xf32, #tpu.memory_space<hbm>> -> memref<1x640x80xf32, #tpu.memory_space<hbm>>
      %dma_start3A_84 = tpu.memref_squeeze %dma_start3A_83 : memref<1x640x80xf32, #tpu.memory_space<hbm>> -> memref<640x80xf32, #tpu.memory_space<hbm>>
      %dma_start3A_85 = arith.constant 0 : i32
      %dma_start3A_86 = tpu.memref_slice %arg16[%mul3A_80, %dma_start3A_85] : memref<10240x80xf32, #tpu.memory_space<vmem_shared>> -> memref<640x80xf32, #tpu.memory_space<vmem_shared>>
      tpu.enqueue_dma source(%dma_start3A_86 : memref<640x80xf32, #tpu.memory_space<vmem_shared>>) target(%dma_start3A_84 : memref<640x80xf32, #tpu.memory_space<hbm>>) target_semaphore(%run_scoped3A : memref<!tpu.dma_semaphore, #tpu.memory_space<semaphore_mem>>)
      %dma_wait3A_87 = arith.constant 0 : i32
      %dma_wait3A_88 = tpu.memref_slice %arg7[%arg0, %mul3A_82, %dma_wait3A_87] : memref<2x10240x80xf32, #tpu.memory_space<hbm>> -> memref<1x640x80xf32, #tpu.memory_space<hbm>>
      %dma_wait3A_89 = tpu.memref_squeeze %dma_wait3A_88 : memref<1x640x80xf32, #tpu.memory_space<hbm>> -> memref<640x80xf32, #tpu.memory_space<hbm>>
      %dma_wait3A_90 = arith.constant 0 : i32
      %dma_wait3A_91 = tpu.memref_slice %arg16[%mul3A_80, %dma_wait3A_90] : memref<10240x80xf32, #tpu.memory_space<vmem_shared>> -> memref<640x80xf32, #tpu.memory_space<vmem_shared>>
      tpu.wait_dma2 semaphore(%run_scoped3A : memref<!tpu.dma_semaphore, #tpu.memory_space<semaphore_mem>>) src(%dma_wait3A_91 : memref<640x80xf32, #tpu.memory_space<vmem_shared>>) dst(%dma_wait3A_89 : memref<640x80xf32, #tpu.memory_space<hbm>>)
      tpu.yield
    }) : () -> ()
    return
  }
}

module attributes {stable_mosaic.version = 14 : i64} {
  func.func @_table_body(%arg0: i32, %arg1: memref<512x128xf32, #tpu.memory_space<vmem>>, %arg2: memref<128x128xf32, #tpu.memory_space<vmem>>, %arg3: memref<1x128xf32, #tpu.memory_space<vmem>>, %arg4: memref<6x128x128xf32, #tpu.memory_space<vmem>>, %arg5: memref<6x1x128xf32, #tpu.memory_space<vmem>>, %arg6: memref<128x128xi32, #tpu.memory_space<vmem>>, %arg7: memref<128x128xi32, #tpu.memory_space<vmem>>, %arg8: memref<512x128xf32, #tpu.memory_space<vmem>>, %arg9: memref<6x512x80xf32, #tpu.memory_space<vmem>>, %arg10: memref<6x512x80xf32, #tpu.memory_space<vmem>>, %arg11: memref<128x128xi32, #tpu.memory_space<vmem>>) attributes {dimension_semantics = [#tpu.dimension_semantics<arbitrary>], iteration_bounds = array<i64: 20>, scalar_prefetch = 0 : i64, scratch_operands = 0 : i64, tpu.core_type = #tpu.core_type<tc>, window_params = [{transform_indices = @transform_0, window_bounds = array<i64: 512, 128>}, {pipeline_mode = #tpu.pipeline_mode<synchronous>, transform_indices = @transform_1, window_bounds = array<i64: 128, 128>}, {pipeline_mode = #tpu.pipeline_mode<synchronous>, transform_indices = @transform_2, window_bounds = array<i64: 1, 128>}, {pipeline_mode = #tpu.pipeline_mode<synchronous>, transform_indices = @transform_3, window_bounds = array<i64: 6, 128, 128>}, {pipeline_mode = #tpu.pipeline_mode<synchronous>, transform_indices = @transform_4, window_bounds = array<i64: 6, 1, 128>}, {transform_indices = @transform_5, window_bounds = array<i64: 128, 128>}, {transform_indices = @transform_6, window_bounds = array<i64: 128, 128>}, {transform_indices = @transform_7, window_bounds = array<i64: 512, 128>}, {transform_indices = @transform_8, window_bounds = array<i64: 6, 512, 80>}, {transform_indices = @transform_9, window_bounds = array<i64: 6, 512, 80>}, {transform_indices = @transform_10, window_bounds = array<i64: 128, 128>}]} {
    %get3A = arith.constant 0 : index
    %get3A_0 = arith.constant 0 : index
    %get3A_1 = vector.load %arg7[%get3A, %get3A_0] : memref<128x128xi32, #tpu.memory_space<vmem>>, vector<128x128xi32>
    %mul3A = arith.constant 10240 : i32
    %mul3A_2 = vector.broadcast %mul3A : i32 to vector<128x128xi32>
    %mul3A_3 = arith.muli %get3A_1, %mul3A_2 : vector<128x128xi32>
    %get3A_4 = arith.constant 0 : index
    %get3A_5 = arith.constant 0 : index
    %get3A_6 = vector.load %arg6[%get3A_4, %get3A_5] : memref<128x128xi32, #tpu.memory_space<vmem>>, vector<128x128xi32>
    %add3A = arith.addi %mul3A_3, %get3A_6 : vector<128x128xi32>
    %swap3A = arith.constant 0 : index
    %swap3A_7 = arith.constant 0 : index
    %swap3A_8 = vector.load %arg11[%swap3A, %swap3A_7] : memref<128x128xi32, #tpu.memory_space<vmem>>, vector<128x128xi32>
    tpu.vector_store %arg11[%swap3A, %swap3A_7], %add3A {strides = array<i32>} : memref<128x128xi32, #tpu.memory_space<vmem>>, vector<128x128xi32>,
    %get3A_9 = arith.constant 0 : index
    %get3A_10 = arith.constant 0 : index
    %get3A_11 = vector.load %arg1[%get3A_9, %get3A_10] : memref<512x128xf32, #tpu.memory_space<vmem>>, vector<512x128xf32>
    %get3A_12 = arith.constant 0 : index
    %get3A_13 = arith.constant 0 : index
    %get3A_14 = vector.load %arg2[%get3A_12, %get3A_13] : memref<128x128xf32, #tpu.memory_space<vmem>>, vector<128x128xf32>
    %dot_general3A = arith.constant dense<0.000000e+00> : vector<512x128xf32>
    %dot_general3A_15 = tpu.matmul %get3A_11, %get3A_14, %dot_general3A {dimension_numbers = #tpu.dot_dimension_numbers<[1], [1], [0], [0], [0, 0, 1, 0], [], []>, transpose_lhs_hint = false} : vector<512x128xf32>, vector<128x128xf32>, vector<512x128xf32> -> vector<512x128xf32>
    %get3A_16 = arith.constant 0 : index
    %get3A_17 = arith.constant 0 : index
    %get3A_18 = vector.load %arg3[%get3A_16, %get3A_17] : memref<1x128xf32, #tpu.memory_space<vmem>>, vector<1x128xf32>
    %add3A_19 = vector.broadcast %get3A_18 : vector<1x128xf32> to vector<512x128xf32>
    %add3A_20 = arith.addf %dot_general3A_15, %add3A_19 : vector<512x128xf32>
    %max3A = arith.constant 0.000000e+00 : f32
    %max3A_21 = vector.broadcast %max3A : f32 to vector<512x128xf32>
    %max3A_22 = arith.maximumf %add3A_20, %max3A_21 : vector<512x128xf32>
    %swap3A_23 = arith.constant 0 : index
    %swap3A_24 = arith.constant 0 : index
    %swap3A_25 = vector.load %arg8[%swap3A_23, %swap3A_24] : memref<512x128xf32, #tpu.memory_space<vmem>>, vector<512x128xf32>
    tpu.vector_store %arg8[%swap3A_23, %swap3A_24], %max3A_22 {strides = array<i32>} : memref<512x128xf32, #tpu.memory_space<vmem>>, vector<512x128xf32>,
    %broadcast_in_dim3A = arith.constant 1.000000e+00 : f32
    %broadcast_in_dim3A_26 = vector.broadcast %broadcast_in_dim3A : f32 to vector<512x16xf32>
    %get3A_27 = arith.constant 0 : index
    %get3A_28 = arith.constant 0 : index
    %get3A_29 = arith.constant 0 : index
    %get3A_30 = vector.load %arg4[%get3A_27, %get3A_28, %get3A_29] : memref<6x128x128xf32, #tpu.memory_space<vmem>>, vector<1x128x128xf32>
    %get3A_31 = vector.shape_cast %get3A_30 : vector<1x128x128xf32> to vector<128x128xf32>
    %dot_general3A_32 = arith.constant dense<0.000000e+00> : vector<512x128xf32>
    %dot_general3A_33 = tpu.matmul %max3A_22, %get3A_31, %dot_general3A_32 {dimension_numbers = #tpu.dot_dimension_numbers<[1], [1], [0], [0], [0, 0, 1, 0], [], []>, transpose_lhs_hint = false} : vector<512x128xf32>, vector<128x128xf32>, vector<512x128xf32> -> vector<512x128xf32>
    %get3A_34 = arith.constant 0 : index
    %get3A_35 = arith.constant 0 : index
    %get3A_36 = arith.constant 0 : index
    %get3A_37 = vector.load %arg5[%get3A_34, %get3A_35, %get3A_36] : memref<6x1x128xf32, #tpu.memory_space<vmem>>, vector<1x1x128xf32>
    %get3A_38 = vector.shape_cast %get3A_37 : vector<1x1x128xf32> to vector<1x128xf32>
    %add3A_39 = vector.broadcast %get3A_38 : vector<1x128xf32> to vector<512x128xf32>
    %add3A_40 = arith.addf %dot_general3A_33, %add3A_39 : vector<512x128xf32>
    %slice3A = vector.extract_strided_slice %add3A_40 {offsets = [0, 0], sizes = [512, 64], strides = [1, 1]} : vector<512x128xf32> to vector<512x64xf32>
    %concatenate3A = tpu.concatenate %slice3A, %broadcast_in_dim3A_26 in 1 : vector<512x64xf32>, vector<512x16xf32> -> vector<512x80xf32>
    %swap3A_41 = arith.constant 0 : index
    %swap3A_42 = arith.constant 0 : index
    %swap3A_43 = arith.constant 0 : index
    %swap3A_44 = vector.load %arg9[%swap3A_41, %swap3A_42, %swap3A_43] : memref<6x512x80xf32, #tpu.memory_space<vmem>>, vector<1x512x80xf32>
    %swap3A_45 = vector.shape_cast %swap3A_44 : vector<1x512x80xf32> to vector<512x80xf32>
    %swap3A_46 = vector.shape_cast %concatenate3A : vector<512x80xf32> to vector<1x512x80xf32>
    tpu.vector_store %arg9[%swap3A_41, %swap3A_42, %swap3A_43], %swap3A_46 {strides = array<i32>} : memref<6x512x80xf32, #tpu.memory_space<vmem>>, vector<1x512x80xf32>,
    %slice3A_47 = vector.extract_strided_slice %add3A_40 {offsets = [0, 64], sizes = [512, 64], strides = [1, 1]} : vector<512x128xf32> to vector<512x64xf32>
    %concatenate3A_48 = tpu.concatenate %slice3A_47, %broadcast_in_dim3A_26 in 1 : vector<512x64xf32>, vector<512x16xf32> -> vector<512x80xf32>
    %swap3A_49 = arith.constant 0 : index
    %swap3A_50 = arith.constant 0 : index
    %swap3A_51 = arith.constant 0 : index
    %swap3A_52 = vector.load %arg10[%swap3A_49, %swap3A_50, %swap3A_51] : memref<6x512x80xf32, #tpu.memory_space<vmem>>, vector<1x512x80xf32>
    %swap3A_53 = vector.shape_cast %swap3A_52 : vector<1x512x80xf32> to vector<512x80xf32>
    %swap3A_54 = vector.shape_cast %concatenate3A_48 : vector<512x80xf32> to vector<1x512x80xf32>
    tpu.vector_store %arg10[%swap3A_49, %swap3A_50, %swap3A_51], %swap3A_54 {strides = array<i32>} : memref<6x512x80xf32, #tpu.memory_space<vmem>>, vector<1x512x80xf32>,
    %get3A_55 = arith.constant 1 : index
    %get3A_56 = arith.constant 0 : index
    %get3A_57 = arith.constant 0 : index
    %get3A_58 = vector.load %arg4[%get3A_55, %get3A_56, %get3A_57] : memref<6x128x128xf32, #tpu.memory_space<vmem>>, vector<1x128x128xf32>
    %get3A_59 = vector.shape_cast %get3A_58 : vector<1x128x128xf32> to vector<128x128xf32>
    %dot_general3A_60 = arith.constant dense<0.000000e+00> : vector<512x128xf32>
    %dot_general3A_61 = tpu.matmul %max3A_22, %get3A_59, %dot_general3A_60 {dimension_numbers = #tpu.dot_dimension_numbers<[1], [1], [0], [0], [0, 0, 1, 0], [], []>, transpose_lhs_hint = false} : vector<512x128xf32>, vector<128x128xf32>, vector<512x128xf32> -> vector<512x128xf32>
    %get3A_62 = arith.constant 1 : index
    %get3A_63 = arith.constant 0 : index
    %get3A_64 = arith.constant 0 : index
    %get3A_65 = vector.load %arg5[%get3A_62, %get3A_63, %get3A_64] : memref<6x1x128xf32, #tpu.memory_space<vmem>>, vector<1x1x128xf32>
    %get3A_66 = vector.shape_cast %get3A_65 : vector<1x1x128xf32> to vector<1x128xf32>
    %add3A_67 = vector.broadcast %get3A_66 : vector<1x128xf32> to vector<512x128xf32>
    %add3A_68 = arith.addf %dot_general3A_61, %add3A_67 : vector<512x128xf32>
    %slice3A_69 = vector.extract_strided_slice %add3A_68 {offsets = [0, 0], sizes = [512, 64], strides = [1, 1]} : vector<512x128xf32> to vector<512x64xf32>
    %concatenate3A_70 = tpu.concatenate %slice3A_69, %broadcast_in_dim3A_26 in 1 : vector<512x64xf32>, vector<512x16xf32> -> vector<512x80xf32>
    %swap3A_71 = arith.constant 1 : index
    %swap3A_72 = arith.constant 0 : index
    %swap3A_73 = arith.constant 0 : index
    %swap3A_74 = vector.load %arg9[%swap3A_71, %swap3A_72, %swap3A_73] : memref<6x512x80xf32, #tpu.memory_space<vmem>>, vector<1x512x80xf32>
    %swap3A_75 = vector.shape_cast %swap3A_74 : vector<1x512x80xf32> to vector<512x80xf32>
    %swap3A_76 = vector.shape_cast %concatenate3A_70 : vector<512x80xf32> to vector<1x512x80xf32>
    tpu.vector_store %arg9[%swap3A_71, %swap3A_72, %swap3A_73], %swap3A_76 {strides = array<i32>} : memref<6x512x80xf32, #tpu.memory_space<vmem>>, vector<1x512x80xf32>,
    %slice3A_77 = vector.extract_strided_slice %add3A_68 {offsets = [0, 64], sizes = [512, 64], strides = [1, 1]} : vector<512x128xf32> to vector<512x64xf32>
    %concatenate3A_78 = tpu.concatenate %slice3A_77, %broadcast_in_dim3A_26 in 1 : vector<512x64xf32>, vector<512x16xf32> -> vector<512x80xf32>
    %swap3A_79 = arith.constant 1 : index
    %swap3A_80 = arith.constant 0 : index
    %swap3A_81 = arith.constant 0 : index
    %swap3A_82 = vector.load %arg10[%swap3A_79, %swap3A_80, %swap3A_81] : memref<6x512x80xf32, #tpu.memory_space<vmem>>, vector<1x512x80xf32>
    %swap3A_83 = vector.shape_cast %swap3A_82 : vector<1x512x80xf32> to vector<512x80xf32>
    %swap3A_84 = vector.shape_cast %concatenate3A_78 : vector<512x80xf32> to vector<1x512x80xf32>
    tpu.vector_store %arg10[%swap3A_79, %swap3A_80, %swap3A_81], %swap3A_84 {strides = array<i32>} : memref<6x512x80xf32, #tpu.memory_space<vmem>>, vector<1x512x80xf32>,
    %get3A_85 = arith.constant 2 : index
    %get3A_86 = arith.constant 0 : index
    %get3A_87 = arith.constant 0 : index
    %get3A_88 = vector.load %arg4[%get3A_85, %get3A_86, %get3A_87] : memref<6x128x128xf32, #tpu.memory_space<vmem>>, vector<1x128x128xf32>
    %get3A_89 = vector.shape_cast %get3A_88 : vector<1x128x128xf32> to vector<128x128xf32>
    %dot_general3A_90 = arith.constant dense<0.000000e+00> : vector<512x128xf32>
    %dot_general3A_91 = tpu.matmul %max3A_22, %get3A_89, %dot_general3A_90 {dimension_numbers = #tpu.dot_dimension_numbers<[1], [1], [0], [0], [0, 0, 1, 0], [], []>, transpose_lhs_hint = false} : vector<512x128xf32>, vector<128x128xf32>, vector<512x128xf32> -> vector<512x128xf32>
    %get3A_92 = arith.constant 2 : index
    %get3A_93 = arith.constant 0 : index
    %get3A_94 = arith.constant 0 : index
    %get3A_95 = vector.load %arg5[%get3A_92, %get3A_93, %get3A_94] : memref<6x1x128xf32, #tpu.memory_space<vmem>>, vector<1x1x128xf32>
    %get3A_96 = vector.shape_cast %get3A_95 : vector<1x1x128xf32> to vector<1x128xf32>
    %add3A_97 = vector.broadcast %get3A_96 : vector<1x128xf32> to vector<512x128xf32>
    %add3A_98 = arith.addf %dot_general3A_91, %add3A_97 : vector<512x128xf32>
    %slice3A_99 = vector.extract_strided_slice %add3A_98 {offsets = [0, 0], sizes = [512, 64], strides = [1, 1]} : vector<512x128xf32> to vector<512x64xf32>
    %concatenate3A_100 = tpu.concatenate %slice3A_99, %broadcast_in_dim3A_26 in 1 : vector<512x64xf32>, vector<512x16xf32> -> vector<512x80xf32>
    %swap3A_101 = arith.constant 2 : index
    %swap3A_102 = arith.constant 0 : index
    %swap3A_103 = arith.constant 0 : index
    %swap3A_104 = vector.load %arg9[%swap3A_101, %swap3A_102, %swap3A_103] : memref<6x512x80xf32, #tpu.memory_space<vmem>>, vector<1x512x80xf32>
    %swap3A_105 = vector.shape_cast %swap3A_104 : vector<1x512x80xf32> to vector<512x80xf32>
    %swap3A_106 = vector.shape_cast %concatenate3A_100 : vector<512x80xf32> to vector<1x512x80xf32>
    tpu.vector_store %arg9[%swap3A_101, %swap3A_102, %swap3A_103], %swap3A_106 {strides = array<i32>} : memref<6x512x80xf32, #tpu.memory_space<vmem>>, vector<1x512x80xf32>,
    %slice3A_107 = vector.extract_strided_slice %add3A_98 {offsets = [0, 64], sizes = [512, 64], strides = [1, 1]} : vector<512x128xf32> to vector<512x64xf32>
    %concatenate3A_108 = tpu.concatenate %slice3A_107, %broadcast_in_dim3A_26 in 1 : vector<512x64xf32>, vector<512x16xf32> -> vector<512x80xf32>
    %swap3A_109 = arith.constant 2 : index
    %swap3A_110 = arith.constant 0 : index
    %swap3A_111 = arith.constant 0 : index
    %swap3A_112 = vector.load %arg10[%swap3A_109, %swap3A_110, %swap3A_111] : memref<6x512x80xf32, #tpu.memory_space<vmem>>, vector<1x512x80xf32>
    %swap3A_113 = vector.shape_cast %swap3A_112 : vector<1x512x80xf32> to vector<512x80xf32>
    %swap3A_114 = vector.shape_cast %concatenate3A_108 : vector<512x80xf32> to vector<1x512x80xf32>
    tpu.vector_store %arg10[%swap3A_109, %swap3A_110, %swap3A_111], %swap3A_114 {strides = array<i32>} : memref<6x512x80xf32, #tpu.memory_space<vmem>>, vector<1x512x80xf32>,
    %get3A_115 = arith.constant 3 : index
    %get3A_116 = arith.constant 0 : index
    %get3A_117 = arith.constant 0 : index
    %get3A_118 = vector.load %arg4[%get3A_115, %get3A_116, %get3A_117] : memref<6x128x128xf32, #tpu.memory_space<vmem>>, vector<1x128x128xf32>
    %get3A_119 = vector.shape_cast %get3A_118 : vector<1x128x128xf32> to vector<128x128xf32>
    %dot_general3A_120 = arith.constant dense<0.000000e+00> : vector<512x128xf32>
    %dot_general3A_121 = tpu.matmul %max3A_22, %get3A_119, %dot_general3A_120 {dimension_numbers = #tpu.dot_dimension_numbers<[1], [1], [0], [0], [0, 0, 1, 0], [], []>, transpose_lhs_hint = false} : vector<512x128xf32>, vector<128x128xf32>, vector<512x128xf32> -> vector<512x128xf32>
    %get3A_122 = arith.constant 3 : index
    %get3A_123 = arith.constant 0 : index
    %get3A_124 = arith.constant 0 : index
    %get3A_125 = vector.load %arg5[%get3A_122, %get3A_123, %get3A_124] : memref<6x1x128xf32, #tpu.memory_space<vmem>>, vector<1x1x128xf32>
    %get3A_126 = vector.shape_cast %get3A_125 : vector<1x1x128xf32> to vector<1x128xf32>
    %add3A_127 = vector.broadcast %get3A_126 : vector<1x128xf32> to vector<512x128xf32>
    %add3A_128 = arith.addf %dot_general3A_121, %add3A_127 : vector<512x128xf32>
    %slice3A_129 = vector.extract_strided_slice %add3A_128 {offsets = [0, 0], sizes = [512, 64], strides = [1, 1]} : vector<512x128xf32> to vector<512x64xf32>
    %concatenate3A_130 = tpu.concatenate %slice3A_129, %broadcast_in_dim3A_26 in 1 : vector<512x64xf32>, vector<512x16xf32> -> vector<512x80xf32>
    %swap3A_131 = arith.constant 3 : index
    %swap3A_132 = arith.constant 0 : index
    %swap3A_133 = arith.constant 0 : index
    %swap3A_134 = vector.load %arg9[%swap3A_131, %swap3A_132, %swap3A_133] : memref<6x512x80xf32, #tpu.memory_space<vmem>>, vector<1x512x80xf32>
    %swap3A_135 = vector.shape_cast %swap3A_134 : vector<1x512x80xf32> to vector<512x80xf32>
    %swap3A_136 = vector.shape_cast %concatenate3A_130 : vector<512x80xf32> to vector<1x512x80xf32>
    tpu.vector_store %arg9[%swap3A_131, %swap3A_132, %swap3A_133], %swap3A_136 {strides = array<i32>} : memref<6x512x80xf32, #tpu.memory_space<vmem>>, vector<1x512x80xf32>,
    %slice3A_137 = vector.extract_strided_slice %add3A_128 {offsets = [0, 64], sizes = [512, 64], strides = [1, 1]} : vector<512x128xf32> to vector<512x64xf32>
    %concatenate3A_138 = tpu.concatenate %slice3A_137, %broadcast_in_dim3A_26 in 1 : vector<512x64xf32>, vector<512x16xf32> -> vector<512x80xf32>
    %swap3A_139 = arith.constant 3 : index
    %swap3A_140 = arith.constant 0 : index
    %swap3A_141 = arith.constant 0 : index
    %swap3A_142 = vector.load %arg10[%swap3A_139, %swap3A_140, %swap3A_141] : memref<6x512x80xf32, #tpu.memory_space<vmem>>, vector<1x512x80xf32>
    %swap3A_143 = vector.shape_cast %swap3A_142 : vector<1x512x80xf32> to vector<512x80xf32>
    %swap3A_144 = vector.shape_cast %concatenate3A_138 : vector<512x80xf32> to vector<1x512x80xf32>
    tpu.vector_store %arg10[%swap3A_139, %swap3A_140, %swap3A_141], %swap3A_144 {strides = array<i32>} : memref<6x512x80xf32, #tpu.memory_space<vmem>>, vector<1x512x80xf32>,
    %get3A_145 = arith.constant 4 : index
    %get3A_146 = arith.constant 0 : index
    %get3A_147 = arith.constant 0 : index
    %get3A_148 = vector.load %arg4[%get3A_145, %get3A_146, %get3A_147] : memref<6x128x128xf32, #tpu.memory_space<vmem>>, vector<1x128x128xf32>
    %get3A_149 = vector.shape_cast %get3A_148 : vector<1x128x128xf32> to vector<128x128xf32>
    %dot_general3A_150 = arith.constant dense<0.000000e+00> : vector<512x128xf32>
    %dot_general3A_151 = tpu.matmul %max3A_22, %get3A_149, %dot_general3A_150 {dimension_numbers = #tpu.dot_dimension_numbers<[1], [1], [0], [0], [0, 0, 1, 0], [], []>, transpose_lhs_hint = false} : vector<512x128xf32>, vector<128x128xf32>, vector<512x128xf32> -> vector<512x128xf32>
    %get3A_152 = arith.constant 4 : index
    %get3A_153 = arith.constant 0 : index
    %get3A_154 = arith.constant 0 : index
    %get3A_155 = vector.load %arg5[%get3A_152, %get3A_153, %get3A_154] : memref<6x1x128xf32, #tpu.memory_space<vmem>>, vector<1x1x128xf32>
    %get3A_156 = vector.shape_cast %get3A_155 : vector<1x1x128xf32> to vector<1x128xf32>
    %add3A_157 = vector.broadcast %get3A_156 : vector<1x128xf32> to vector<512x128xf32>
    %add3A_158 = arith.addf %dot_general3A_151, %add3A_157 : vector<512x128xf32>
    %slice3A_159 = vector.extract_strided_slice %add3A_158 {offsets = [0, 0], sizes = [512, 64], strides = [1, 1]} : vector<512x128xf32> to vector<512x64xf32>
    %concatenate3A_160 = tpu.concatenate %slice3A_159, %broadcast_in_dim3A_26 in 1 : vector<512x64xf32>, vector<512x16xf32> -> vector<512x80xf32>
    %swap3A_161 = arith.constant 4 : index
    %swap3A_162 = arith.constant 0 : index
    %swap3A_163 = arith.constant 0 : index
    %swap3A_164 = vector.load %arg9[%swap3A_161, %swap3A_162, %swap3A_163] : memref<6x512x80xf32, #tpu.memory_space<vmem>>, vector<1x512x80xf32>
    %swap3A_165 = vector.shape_cast %swap3A_164 : vector<1x512x80xf32> to vector<512x80xf32>
    %swap3A_166 = vector.shape_cast %concatenate3A_160 : vector<512x80xf32> to vector<1x512x80xf32>
    tpu.vector_store %arg9[%swap3A_161, %swap3A_162, %swap3A_163], %swap3A_166 {strides = array<i32>} : memref<6x512x80xf32, #tpu.memory_space<vmem>>, vector<1x512x80xf32>,
    %slice3A_167 = vector.extract_strided_slice %add3A_158 {offsets = [0, 64], sizes = [512, 64], strides = [1, 1]} : vector<512x128xf32> to vector<512x64xf32>
    %concatenate3A_168 = tpu.concatenate %slice3A_167, %broadcast_in_dim3A_26 in 1 : vector<512x64xf32>, vector<512x16xf32> -> vector<512x80xf32>
    %swap3A_169 = arith.constant 4 : index
    %swap3A_170 = arith.constant 0 : index
    %swap3A_171 = arith.constant 0 : index
    %swap3A_172 = vector.load %arg10[%swap3A_169, %swap3A_170, %swap3A_171] : memref<6x512x80xf32, #tpu.memory_space<vmem>>, vector<1x512x80xf32>
    %swap3A_173 = vector.shape_cast %swap3A_172 : vector<1x512x80xf32> to vector<512x80xf32>
    %swap3A_174 = vector.shape_cast %concatenate3A_168 : vector<512x80xf32> to vector<1x512x80xf32>
    tpu.vector_store %arg10[%swap3A_169, %swap3A_170, %swap3A_171], %swap3A_174 {strides = array<i32>} : memref<6x512x80xf32, #tpu.memory_space<vmem>>, vector<1x512x80xf32>,
    %get3A_175 = arith.constant 5 : index
    %get3A_176 = arith.constant 0 : index
    %get3A_177 = arith.constant 0 : index
    %get3A_178 = vector.load %arg4[%get3A_175, %get3A_176, %get3A_177] : memref<6x128x128xf32, #tpu.memory_space<vmem>>, vector<1x128x128xf32>
    %get3A_179 = vector.shape_cast %get3A_178 : vector<1x128x128xf32> to vector<128x128xf32>
    %dot_general3A_180 = arith.constant dense<0.000000e+00> : vector<512x128xf32>
    %dot_general3A_181 = tpu.matmul %max3A_22, %get3A_179, %dot_general3A_180 {dimension_numbers = #tpu.dot_dimension_numbers<[1], [1], [0], [0], [0, 0, 1, 0], [], []>, transpose_lhs_hint = false} : vector<512x128xf32>, vector<128x128xf32>, vector<512x128xf32> -> vector<512x128xf32>
    %get3A_182 = arith.constant 5 : index
    %get3A_183 = arith.constant 0 : index
    %get3A_184 = arith.constant 0 : index
    %get3A_185 = vector.load %arg5[%get3A_182, %get3A_183, %get3A_184] : memref<6x1x128xf32, #tpu.memory_space<vmem>>, vector<1x1x128xf32>
    %get3A_186 = vector.shape_cast %get3A_185 : vector<1x1x128xf32> to vector<1x128xf32>
    %add3A_187 = vector.broadcast %get3A_186 : vector<1x128xf32> to vector<512x128xf32>
    %add3A_188 = arith.addf %dot_general3A_181, %add3A_187 : vector<512x128xf32>
    %slice3A_189 = vector.extract_strided_slice %add3A_188 {offsets = [0, 0], sizes = [512, 64], strides = [1, 1]} : vector<512x128xf32> to vector<512x64xf32>
    %concatenate3A_190 = tpu.concatenate %slice3A_189, %broadcast_in_dim3A_26 in 1 : vector<512x64xf32>, vector<512x16xf32> -> vector<512x80xf32>
    %swap3A_191 = arith.constant 5 : index
    %swap3A_192 = arith.constant 0 : index
    %swap3A_193 = arith.constant 0 : index
    %swap3A_194 = vector.load %arg9[%swap3A_191, %swap3A_192, %swap3A_193] : memref<6x512x80xf32, #tpu.memory_space<vmem>>, vector<1x512x80xf32>
    %swap3A_195 = vector.shape_cast %swap3A_194 : vector<1x512x80xf32> to vector<512x80xf32>
    %swap3A_196 = vector.shape_cast %concatenate3A_190 : vector<512x80xf32> to vector<1x512x80xf32>
    tpu.vector_store %arg9[%swap3A_191, %swap3A_192, %swap3A_193], %swap3A_196 {strides = array<i32>} : memref<6x512x80xf32, #tpu.memory_space<vmem>>, vector<1x512x80xf32>,
    %slice3A_197 = vector.extract_strided_slice %add3A_188 {offsets = [0, 64], sizes = [512, 64], strides = [1, 1]} : vector<512x128xf32> to vector<512x64xf32>
    %concatenate3A_198 = tpu.concatenate %slice3A_197, %broadcast_in_dim3A_26 in 1 : vector<512x64xf32>, vector<512x16xf32> -> vector<512x80xf32>
    %swap3A_199 = arith.constant 5 : index
    %swap3A_200 = arith.constant 0 : index
    %swap3A_201 = arith.constant 0 : index
    %swap3A_202 = vector.load %arg10[%swap3A_199, %swap3A_200, %swap3A_201] : memref<6x512x80xf32, #tpu.memory_space<vmem>>, vector<1x512x80xf32>
    %swap3A_203 = vector.shape_cast %swap3A_202 : vector<1x512x80xf32> to vector<512x80xf32>
    %swap3A_204 = vector.shape_cast %concatenate3A_198 : vector<512x80xf32> to vector<1x512x80xf32>
    tpu.vector_store %arg10[%swap3A_199, %swap3A_200, %swap3A_201], %swap3A_204 {strides = array<i32>} : memref<6x512x80xf32, #tpu.memory_space<vmem>>, vector<1x512x80xf32>,
    return
  }
  func.func @transform_0(%arg0: i32) -> (i32, i32) {
    %c0_i32 = arith.constant 0 : i32
    %c0_i32_0 = arith.constant 0 : i32
    return %arg0, %c0_i32 : i32, i32
  }
  func.func @transform_1(%arg0: i32) -> (i32, i32) {
    %c0_i32 = arith.constant 0 : i32
    %c0_i32_0 = arith.constant 0 : i32
    %c0_i32_1 = arith.constant 0 : i32
    return %c0_i32, %c0_i32_0 : i32, i32
  }
  func.func @transform_2(%arg0: i32) -> (i32, i32) {
    %c0_i32 = arith.constant 0 : i32
    %c0_i32_0 = arith.constant 0 : i32
    %c0_i32_1 = arith.constant 0 : i32
    return %c0_i32, %c0_i32_0 : i32, i32
  }
  func.func @transform_3(%arg0: i32) -> (i32, i32, i32) {
    %c0_i32 = arith.constant 0 : i32
    %c0_i32_0 = arith.constant 0 : i32
    %c0_i32_1 = arith.constant 0 : i32
    %c0_i32_2 = arith.constant 0 : i32
    return %c0_i32, %c0_i32_0, %c0_i32_1 : i32, i32, i32
  }
  func.func @transform_4(%arg0: i32) -> (i32, i32, i32) {
    %c0_i32 = arith.constant 0 : i32
    %c0_i32_0 = arith.constant 0 : i32
    %c0_i32_1 = arith.constant 0 : i32
    %c0_i32_2 = arith.constant 0 : i32
    return %c0_i32, %c0_i32_0, %c0_i32_1 : i32, i32, i32
  }
  func.func @transform_5(%arg0: i32) -> (i32, i32) {
    %c0_i32 = arith.constant 0 : i32
    %c0_i32_0 = arith.constant 0 : i32
    return %arg0, %c0_i32 : i32, i32
  }
  func.func @transform_6(%arg0: i32) -> (i32, i32) {
    %c0_i32 = arith.constant 0 : i32
    %c0_i32_0 = arith.constant 0 : i32
    return %arg0, %c0_i32 : i32, i32
  }
  func.func @transform_7(%arg0: i32) -> (i32, i32) {
    %c0_i32 = arith.constant 0 : i32
    %c0_i32_0 = arith.constant 0 : i32
    return %arg0, %c0_i32 : i32, i32
  }
  func.func @transform_8(%arg0: i32) -> (i32, i32, i32) {
    %c0_i32 = arith.constant 0 : i32
    %c0_i32_0 = arith.constant 0 : i32
    %c0_i32_1 = arith.constant 0 : i32
    return %c0_i32, %arg0, %c0_i32_0 : i32, i32, i32
  }
  func.func @transform_9(%arg0: i32) -> (i32, i32, i32) {
    %c0_i32 = arith.constant 0 : i32
    %c0_i32_0 = arith.constant 0 : i32
    %c0_i32_1 = arith.constant 0 : i32
    return %c0_i32, %arg0, %c0_i32_0 : i32, i32, i32
  }
  func.func @transform_10(%arg0: i32) -> (i32, i32) {
    %c0_i32 = arith.constant 0 : i32
    %c0_i32_0 = arith.constant 0 : i32
    return %arg0, %c0_i32 : i32, i32
  }
}

module attributes {stable_mosaic.version = 14 : i64} {
  func.func @_epi_body(%arg0: i32, %arg1: memref<512x128xf32, #tpu.memory_space<vmem>>, %arg2: memref<2x512x80xf32, #tpu.memory_space<vmem>>, %arg3: memref<128x128xf32, #tpu.memory_space<vmem>>, %arg4: memref<1x128xf32, #tpu.memory_space<vmem>>, %arg5: memref<128x128xf32, #tpu.memory_space<vmem>>, %arg6: memref<1x128xf32, #tpu.memory_space<vmem>>, %arg7: memref<1x128xf32, #tpu.memory_space<vmem>>, %arg8: memref<512x128xf32, #tpu.memory_space<vmem>>, %arg9: memref<512x1xf32, #tpu.memory_space<vmem>>) attributes {dimension_semantics = [#tpu.dimension_semantics<arbitrary>], iteration_bounds = array<i64: 20>, scalar_prefetch = 0 : i64, scratch_operands = 0 : i64, tpu.core_type = #tpu.core_type<tc>, window_params = [{transform_indices = @transform_0, window_bounds = array<i64: 512, 128>}, {transform_indices = @transform_1, window_bounds = array<i64: 2, 512, 80>}, {pipeline_mode = #tpu.pipeline_mode<synchronous>, transform_indices = @transform_2, window_bounds = array<i64: 128, 128>}, {pipeline_mode = #tpu.pipeline_mode<synchronous>, transform_indices = @transform_3, window_bounds = array<i64: 1, 128>}, {pipeline_mode = #tpu.pipeline_mode<synchronous>, transform_indices = @transform_4, window_bounds = array<i64: 128, 128>}, {pipeline_mode = #tpu.pipeline_mode<synchronous>, transform_indices = @transform_5, window_bounds = array<i64: 1, 128>}, {pipeline_mode = #tpu.pipeline_mode<synchronous>, transform_indices = @transform_6, window_bounds = array<i64: 1, 128>}, {transform_indices = @transform_7, window_bounds = array<i64: 512, 128>}, {transform_indices = @transform_8, window_bounds = array<i64: 512, 1>}]} {
    %get3A = arith.constant 0 : index
    %get3A_0 = arith.constant 0 : index
    %get3A_1 = arith.constant 0 : index
    %get3A_2 = vector.load %arg2[%get3A, %get3A_0, %get3A_1] : memref<2x512x80xf32, #tpu.memory_space<vmem>>, vector<1x512x64xf32>
    %get3A_3 = vector.shape_cast %get3A_2 : vector<1x512x64xf32> to vector<512x64xf32>
    %get3A_4 = arith.constant 1 : index
    %get3A_5 = arith.constant 0 : index
    %get3A_6 = arith.constant 0 : index
    %get3A_7 = vector.load %arg2[%get3A_4, %get3A_5, %get3A_6] : memref<2x512x80xf32, #tpu.memory_space<vmem>>, vector<1x512x64xf32>
    %get3A_8 = vector.shape_cast %get3A_7 : vector<1x512x64xf32> to vector<512x64xf32>
    %concatenate3A = tpu.concatenate %get3A_3, %get3A_8 in 1 : vector<512x64xf32>, vector<512x64xf32> -> vector<512x128xf32>
    %get3A_9 = arith.constant 0 : index
    %get3A_10 = arith.constant 0 : index
    %get3A_11 = arith.constant 64 : index
    %get3A_12 = vector.load %arg2[%get3A_9, %get3A_10, %get3A_11] : memref<2x512x80xf32, #tpu.memory_space<vmem>>, vector<1x512x1xf32>
    %get3A_13 = vector.shape_cast %get3A_12 : vector<1x512x1xf32> to vector<512x1xf32>
    %get3A_14 = arith.constant 0 : index
    %get3A_15 = arith.constant 0 : index
    %get3A_16 = vector.load %arg1[%get3A_14, %get3A_15] : memref<512x128xf32, #tpu.memory_space<vmem>>, vector<512x128xf32>
    %max3A = arith.constant 1.000000e+00 : f32
    %max3A_17 = vector.broadcast %max3A : f32 to vector<512x1xf32>
    %max3A_18 = arith.maximumf %get3A_13, %max3A_17 : vector<512x1xf32>
    %div3A = vector.broadcast %max3A_18 : vector<512x1xf32> to vector<512x128xf32>
    %div3A_19 = arith.divf %concatenate3A, %div3A : vector<512x128xf32>
    %add3A = arith.addf %get3A_16, %div3A_19 : vector<512x128xf32>
    %get3A_20 = arith.constant 0 : index
    %get3A_21 = arith.constant 0 : index
    %get3A_22 = vector.load %arg3[%get3A_20, %get3A_21] : memref<128x128xf32, #tpu.memory_space<vmem>>, vector<128x128xf32>
    %dot_general3A = arith.constant dense<0.000000e+00> : vector<512x128xf32>
    %dot_general3A_23 = tpu.matmul %add3A, %get3A_22, %dot_general3A {dimension_numbers = #tpu.dot_dimension_numbers<[1], [1], [0], [0], [0, 0, 1, 0], [], []>, transpose_lhs_hint = false} : vector<512x128xf32>, vector<128x128xf32>, vector<512x128xf32> -> vector<512x128xf32>
    %get3A_24 = arith.constant 0 : index
    %get3A_25 = arith.constant 0 : index
    %get3A_26 = vector.load %arg4[%get3A_24, %get3A_25] : memref<1x128xf32, #tpu.memory_space<vmem>>, vector<1x128xf32>
    %add3A_27 = vector.broadcast %get3A_26 : vector<1x128xf32> to vector<512x128xf32>
    %add3A_28 = arith.addf %dot_general3A_23, %add3A_27 : vector<512x128xf32>
    %max3A_29 = arith.constant 0.000000e+00 : f32
    %max3A_30 = vector.broadcast %max3A_29 : f32 to vector<512x128xf32>
    %max3A_31 = arith.maximumf %add3A_28, %max3A_30 : vector<512x128xf32>
    %get3A_32 = arith.constant 0 : index
    %get3A_33 = arith.constant 0 : index
    %get3A_34 = vector.load %arg5[%get3A_32, %get3A_33] : memref<128x128xf32, #tpu.memory_space<vmem>>, vector<128x128xf32>
    %dot_general3A_35 = arith.constant dense<0.000000e+00> : vector<512x128xf32>
    %dot_general3A_36 = tpu.matmul %max3A_31, %get3A_34, %dot_general3A_35 {dimension_numbers = #tpu.dot_dimension_numbers<[1], [1], [0], [0], [0, 0, 1, 0], [], []>, transpose_lhs_hint = false} : vector<512x128xf32>, vector<128x128xf32>, vector<512x128xf32> -> vector<512x128xf32>
    %get3A_37 = arith.constant 0 : index
    %get3A_38 = arith.constant 0 : index
    %get3A_39 = vector.load %arg6[%get3A_37, %get3A_38] : memref<1x128xf32, #tpu.memory_space<vmem>>, vector<1x128xf32>
    %add3A_40 = vector.broadcast %get3A_39 : vector<1x128xf32> to vector<512x128xf32>
    %add3A_41 = arith.addf %dot_general3A_36, %add3A_40 : vector<512x128xf32>
    %swap3A = arith.constant 0 : index
    %swap3A_42 = arith.constant 0 : index
    %swap3A_43 = vector.load %arg8[%swap3A, %swap3A_42] : memref<512x128xf32, #tpu.memory_space<vmem>>, vector<512x128xf32>
    tpu.vector_store %arg8[%swap3A, %swap3A_42], %add3A_41 {strides = array<i32>} : memref<512x128xf32, #tpu.memory_space<vmem>>, vector<512x128xf32>,
    %get3A_44 = arith.constant 0 : index
    %get3A_45 = arith.constant 0 : index
    %get3A_46 = vector.load %arg7[%get3A_44, %get3A_45] : memref<1x128xf32, #tpu.memory_space<vmem>>, vector<1x128xf32>
    %dot_general3A_47 = arith.constant dense<0.000000e+00> : vector<512x1xf32>
    %dot_general3A_48 = tpu.matmul %add3A_41, %get3A_46, %dot_general3A_47 {dimension_numbers = #tpu.dot_dimension_numbers<[1], [1], [0], [0], [0, 0, 1, 0], [], []>, transpose_lhs_hint = false} : vector<512x128xf32>, vector<1x128xf32>, vector<512x1xf32> -> vector<512x1xf32>
    %swap3A_49 = arith.constant 0 : index
    %swap3A_50 = arith.constant 0 : index
    %swap3A_51 = vector.load %arg9[%swap3A_49, %swap3A_50] : memref<512x1xf32, #tpu.memory_space<vmem>>, vector<512x1xf32>
    tpu.vector_store %arg9[%swap3A_49, %swap3A_50], %dot_general3A_48 {strides = array<i32>} : memref<512x1xf32, #tpu.memory_space<vmem>>, vector<512x1xf32>,
    return
  }
  func.func @transform_0(%arg0: i32) -> (i32, i32) {
    %c0_i32 = arith.constant 0 : i32
    %c0_i32_0 = arith.constant 0 : i32
    return %arg0, %c0_i32 : i32, i32
  }
  func.func @transform_1(%arg0: i32) -> (i32, i32, i32) {
    %c0_i32 = arith.constant 0 : i32
    %c0_i32_0 = arith.constant 0 : i32
    %c0_i32_1 = arith.constant 0 : i32
    return %c0_i32, %arg0, %c0_i32_0 : i32, i32, i32
  }
  func.func @transform_2(%arg0: i32) -> (i32, i32) {
    %c0_i32 = arith.constant 0 : i32
    %c0_i32_0 = arith.constant 0 : i32
    %c0_i32_1 = arith.constant 0 : i32
    return %c0_i32, %c0_i32_0 : i32, i32
  }
  func.func @transform_3(%arg0: i32) -> (i32, i32) {
    %c0_i32 = arith.constant 0 : i32
    %c0_i32_0 = arith.constant 0 : i32
    %c0_i32_1 = arith.constant 0 : i32
    return %c0_i32, %c0_i32_0 : i32, i32
  }
  func.func @transform_4(%arg0: i32) -> (i32, i32) {
    %c0_i32 = arith.constant 0 : i32
    %c0_i32_0 = arith.constant 0 : i32
    %c0_i32_1 = arith.constant 0 : i32
    return %c0_i32, %c0_i32_0 : i32, i32
  }
  func.func @transform_5(%arg0: i32) -> (i32, i32) {
    %c0_i32 = arith.constant 0 : i32
    %c0_i32_0 = arith.constant 0 : i32
    %c0_i32_1 = arith.constant 0 : i32
    return %c0_i32, %c0_i32_0 : i32, i32
  }
  func.func @transform_6(%arg0: i32) -> (i32, i32) {
    %c0_i32 = arith.constant 0 : i32
    %c0_i32_0 = arith.constant 0 : i32
    %c0_i32_1 = arith.constant 0 : i32
    return %c0_i32, %c0_i32_0 : i32, i32
  }
  func.func @transform_7(%arg0: i32) -> (i32, i32) {
    %c0_i32 = arith.constant 0 : i32
    %c0_i32_0 = arith.constant 0 : i32
    return %arg0, %c0_i32 : i32, i32
  }
  func.func @transform_8(%arg0: i32) -> (i32, i32) {
    %c0_i32 = arith.constant 0 : i32
    %c0_i32_0 = arith.constant 0 : i32
    return %arg0, %c0_i32 : i32, i32
  }
}

</mosaic_0001>

<sc_bundles>
// kernel: kernel.5.cloned.1.call-start
scs
__scs_entry_jumppad:
0x0: {  	(pc) =	sbr.rel $0x88, $3  }
0x1: {  	(tag) =	ssettag $0x0;
	lr =	simm.s32 $0x1  }
0x2: {  	[smem:$0x3F94] =	sst lr;
	_ =	strace $0xD0000000  }
0x3: {  	_ = 	snop  }
0x4: {  	_ = 	snop  }
0x5: {  	_ = 	snop  }
0x6: {  	_ = 	snop  }
0x7: {  	_ = 	snop  }
__scs_overlays_trampoline_lowered:
0x8: {  	[smem:$0x3FA3] =	sst s0  }
0x9: {  	[smem:$0x3FA4] =	sst s1  }
0xa: {  	[smem:$0x3FA5] =	sst s2  }
0xb: {  	[smem:$0x3FA6] =	sst s3  }
0xc: {  	[smem:$0x3FA7] =	sst s4  }
0xd: {  	[smem:$0x3FA8] =	sst s5  }
0xe: {  	[smem:$0x3FA9] =	sst s6  }
0xf: {  	[smem:$0x3FAA] =	sst s7  }
0x10: {  	[smem:$0x3FAB] =	sst s8  }
0x11: {  	[smem:$0x3FAC] =	sst s9;
	s0 =	simm.s32 @!p0 $0x0  }
0x12: {  	s1 =	sld [smem:$0x3F92];
	s0 =	simm.s32 @p0 $0x1  }
0x13: {  	[smem:$0x3FAD] =	sst s0;
	s0 =	simm.s32 @!p1 $0x0  }
0x14: {  	s2 =	sld [smem:$0x3F91];
	s0 =	simm.s32 @p1 $0x1  }
0x15: {  	[smem:$0x3FAE] =	sst s0;
	s0 =	simm.s32 @!p2 $0x0  }
0x16: {  	s3 =	sld [smem:$0x3FDB];
	s0 =	simm.s32 @p2 $0x1  }
0x17: {  	s4 =	simm.s32 $0x1BF5;
	[smem:$0x3FB0] =	sst s0  }
0x18: {  	s0 =	sld [smem:$0x3F93];
	_ =	swait.ge [sflag:s4], $0x0  }
0x19: {  	s7 =	sld [smem:$0x3F94]  }
0x1a: {  	s8 =	sadd.s32 $0xFFFFE003, lr  }
0x1b: {  	s9 =	sadd.s32 $0xFFFFFEF7, lr;
	s5 =	simm.s32 $0xFFFFFFFF;
	p2 =	slt.u32 s8, $0xFFFFF086  }
0x1c: {  	p1 =	slt.u32 s9, $0xF7A;
	s5 =	simm.s32 @!p2 $0x0  }
0x1d: {  	s5 =	simm.s32 @p1 $0x1;
	p0 =	seq.s32 s7, s2  }
0x1e: {  	s7 =	smul.u32 @!p0 $0xF7A, s2;
	p2 =	seq.s32 @!p0 s5, $0x0  }
0x1f: {  	s9 =	smul.u32 $0xF7A, s1;
	s8 =	simm.s32 @!p0 $0x1BF5;
	p2 =	por !p2, p0  }
0x20: {  	[sflag:s8] =	ssyncset.s32 @!p0 $0xFFFFF086;
	s6 =	sadd.s32 @!p0 s3, s7;
	s7 =	simm.s32 @!p0 $0x108  }
0x21: {  	s3 =	sadd.s32 s3, s9;
	s6 =	sadd.s32 @!p0 $0x88, s6;
	s7 =	simm.s32 @p2 $0x1082  }
0x22: {  	[simem:s7], [sflag:s8] =	dma.local @!p0 [hbm:s6], $0xF7A  }
0x23: {  	s9 =	sor.u32 $0xD0000000, s2;
	s6 =	simm.s32 $0x108;
	_ =	swait.ge @!p0 [sflag:s8], $0x0  }
0x24: {  	s3 =	sadd.s32 $0x88, s3;
	s6 =	simm.s32 @!p1 $0x1082;
	[sflag:s4] =	ssyncset.s32 $0xFFFFF086  }
0x25: {  	[simem:s6], [sflag:s4] =	dma.local [hbm:s3], $0xF7A  }
0x26: {  	[smem:$0x3F94] =	sst s1;
	(tag) =	ssettag s2;
	_ =	strace s9  }
0x27: {  	s1 =	sld [smem:$0x3FA4]  }
0x28: {  	s2 =	sld [smem:$0x3FA5]  }
0x29: {  	s4 =	sld [smem:$0x3FA7]  }
0x2a: {  	p0 =	seq.s32 s5, $0x0;
	s5 =	sld [smem:$0x3FA8]  }
0x2b: {  	s6 =	sld [smem:$0x3FA9]  }
0x2c: {  	s7 =	sld [smem:$0x3FAA]  }
0x2d: {  	s3 =	simm.s32 $0x108;
	s8 =	sld [smem:$0x3FAB]  }
0x2e: {  	s3 =	simm.s32 @!p0 $0x1082;
	s9 =	sld [smem:$0x3FAC]  }
0x2f: {  	lr =	sadd.s32 s0, s3;
	s0 =	sld [smem:$0x3FA3]  }
0x30: {  	s3 =	sld [smem:$0x3FA6]  }
0x31: {  	[smem:$0x3FAF] =	sst s10  }
0x32: {  	s10 =	sld [smem:$0x3FAD];
	_ =	sdelay $0x3  }
0x33: {  	p0 =	seq.s32 s10, $0x1;
	s10 =	sld [smem:$0x3FAF];
	_ =	sdelay $0x3  }
0x34: {  	[smem:$0x3FAF] =	sst s10  }
0x35: {  	s10 =	sld [smem:$0x3FAE];
	_ =	sdelay $0x3  }
0x36: {  	p1 =	seq.s32 s10, $0x1;
	s10 =	sld [smem:$0x3FAF];
	_ =	sdelay $0x3  }
0x37: {  	[smem:$0x3FAF] =	sst s10  }
0x38: {  	s10 =	sld [smem:$0x3FB0]  }
0x39: {  	_ = 	snop;
	(pc) =	sbr.ind lr, $3  }
0x3a: {  	_ = 	snop  }
0x3b: {  	_ = 	snop  }
0x3c: {  	p2 =	seq.s32 s10, $0x1;
	s10 =	sld [smem:$0x3FAF]  }
0x3d: {  	_ =	shalt  }
0x3e: {  	_ =	shalt  }
0x3f: {  	_ =	shalt  }
0x40: {  	_ =	shalt  }
0x41: {  	_ =	shalt  }
0x42: {  	_ =	shalt  }
0x43: {  	_ =	shalt  }
0x44: {  	_ =	shalt  }
0x45: {  	_ =	shalt  }
0x46: {  	_ =	shalt  }
0x47: {  	_ =	shalt  }
0x48: {  	_ =	shalt  }
0x49: {  	_ =	shalt  }
0x4a: {  	_ =	shalt  }
0x4b: {  	_ =	shalt  }
0x4c: {  	_ =	shalt  }
0x4d: {  	_ =	shalt  }
0x4e: {  	_ =	shalt  }
0x4f: {  	_ =	shalt  }
0x50: {  	_ =	shalt  }
0x51: {  	_ =	shalt  }
0x52: {  	_ =	shalt  }
0x53: {  	_ =	shalt  }
0x54: {  	_ =	shalt  }
0x55: {  	_ =	shalt  }
0x56: {  	_ =	shalt  }
0x57: {  	_ =	shalt  }
0x58: {  	_ =	shalt  }
0x59: {  	_ =	shalt  }
0x5a: {  	_ =	shalt  }
0x5b: {  	_ =	shalt  }
0x5c: {  	_ =	shalt  }
0x5d: {  	_ =	shalt  }
0x5e: {  	_ =	shalt  }
0x5f: {  	_ =	shalt  }
0x60: {  	_ =	shalt  }
0x61: {  	_ =	shalt  }
0x62: {  	_ =	shalt  }
0x63: {  	_ =	shalt  }
0x64: {  	_ =	shalt  }
0x65: {  	_ =	shalt  }
0x66: {  	_ =	shalt  }
0x67: {  	_ =	shalt  }
0x68: {  	_ =	shalt  }
0x69: {  	_ =	shalt  }
0x6a: {  	_ =	shalt  }
0x6b: {  	_ =	shalt  }
0x6c: {  	_ =	shalt  }
0x6d: {  	_ =	shalt  }
0x6e: {  	_ =	shalt  }
0x6f: {  	_ =	shalt  }
0x70: {  	_ =	shalt  }
0x71: {  	_ =	shalt  }
0x72: {  	_ =	shalt  }
0x73: {  	_ =	shalt  }
0x74: {  	_ =	shalt  }
0x75: {  	_ =	shalt  }
0x76: {  	_ =	shalt  }
0x77: {  	_ =	shalt  }
0x78: {  	_ =	shalt  }
0x79: {  	_ =	shalt  }
0x7a: {  	_ =	shalt  }
0x7b: {  	_ =	shalt  }
0x7c: {  	_ =	shalt  }
0x7d: {  	_ =	shalt  }
0x7e: {  	_ =	shalt  }
0x7f: {  	_ =	shalt  }
0x80: {  	_ =	shalt  }
0x81: {  	_ =	shalt  }
0x82: {  	_ =	shalt  }
0x83: {  	_ =	shalt  }
0x84: {  	_ =	shalt  }
0x85: {  	_ =	shalt  }
0x86: {  	_ =	shalt  }
0x87: {  	_ =	shalt  }
.Lfunc_end0:
.L_simem_size_0:
called_computation_lowered:
.L_overlay_start_0:
0x88: {  	s2 =	sld [smem:$0x3FD9]  }
0x89: {  	s3 =	sld [smem:$0x3FFE];
	_ =	sdelay $0x1  }
0x8a: {  	s1 =	srdreg.scid  }
0x8b: {  	s0 =	sand.u32 $0x1, s1  }
0x8c: {  	s14 =	sshll.u32 s0, $0xA;
	s2 =	sadd.s32 s3, s2  }
0x8d: {  	s2 =	sadd.s32 s2, s14  }
0x8e: {  	[smem:$0x3FBB] =	sst s2  }
0x8f: {  	_ = 	snop  }
0x90: {  	s2 =	sld [smem:$0x3FD0];
	_ =	sdelay $0x2  }
0x91: {  	s15 =	simm.s32 $0xA;
	s4 =	simm.s32 $0x10  }
0x92: {  	[smem:s4], [sflag:s15] =	dma.local [hbm:s2], $0x1  }
0x93: {  	_ =	swait.eq [sflag:s15], $0x1  }
0x94: {  	[sflag:s15] =	ssyncset.done $0x0  }
0x95: {  	[sflag:s15] =	ssyncadd.s32 $0xFFFFFFFF  }
0x96: {  	s16 =	sld [smem:$0x10];
	(tm) =	ssettm $0x1  }
0x97: {  	s17 =	sld [smem:$0x3FFB];
	_ =	sdelay $0x3  }
0x98: {  	_ =	strace s17  }
0x99: {  	s3 =	sld [smem:$0x3FFC];
	_ =	sdelay $0x3  }
0x9a: {  	_ =	strace s3  }
0x9b: {  	s3 =	sld [smem:$0x3FFD];
	_ =	sdelay $0x3  }
0x9c: {  	_ =	strace s3  }
0x9d: {  	_ =	strace $0x8FFFFFFF  }
0x9e: {  	s18 =	sld [smem:$0x3FDB];
	_ =	sdelay $0x1  }
0x9f: {  	s19 =	simm.s32 $_scs_section_size  }
0xa0: {  	s5 =	simm.s32 $_size__tile_overlayer_lowered;
	s6 =	simm.s32 $_tile_overlayer_lowered  }
0xa1: {  	s22 =	simm.s32 $0x1BFF;
	s21 =	sshll.u32 s6, $0x1;
	s3 =	sadd.s32 s19, s18  }
0xa2: {  	s7 =	simm.s32 $0x0;
	s20 =	sshll.u32 s5, $0x1;
	s5 =	sadd.s32 s21, s3  }
0xa3: {  	[timem:s7], [sflag:s22] =	dma.local [hbm:s5], s20  }
0xa4: {  	_ =	swait.ge [sflag:s22], s20  }
0xa5: {  	s4 =	ssub.s32 $0x0, s20;
	[sflag:s22] =	ssyncset.done $0x0  }
0xa6: {  	[sflag:s22] =	ssyncadd.s32 s4;
	_ =	sdelay $0x1  }
0xa7: {  	s23 =	simm.s32 $0x1B8B  }
0xa8: {  	_ =	swait.ge [sflag:s23], $0x1  }
0xa9: {  	[sflag:s23] =	ssyncset.done $0x0  }
0xaa: {  	s25 =	simm.s32 $0x1B8E;
	s24 =	sld [smem:$0x3FFE];
	[sflag:s23] =	ssyncadd.s32 $0xFFFFFFFF  }
0xab: {  	s26 =	simm.s32 $execute0_lowered;
	[smem:$0x3FD2] =	sst s25  }
0xac: {  	s5 =	sshll.u32 s26, $0x1;
	_ =	strace $0x80000046;
	[dreg:$0x1] =	wrdreg $0xFFFFFFFF  }
0xad: {  	s28 =	simm.s32 $_size_execute0_lowered;
	s3 =	sadd.s32 s3, s5;
	[dreg:$0x0] =	wrdreg $0x0  }
0xae: {  	s5 =	sshll.u32 s28, $0x1;
	[dreg:$0x2] =	wrdreg s3  }
0xaf: {  	[dreg:$0x3] =	wrdreg s5  }
0xb0: {  	[dreg:$0x4] =	wrdreg $0xC0  }
0xb1: {  	_ =	task [dreg:s7], $0x5FFFF  }
0xb2: {  	[dreg:$0x1] =	wrdreg $0xFFFFFFFF  }
0xb3: {  	[dreg:$0x0] =	wrdreg $0x60  }
0xb4: {  	[dreg:$0x2] =	wrdreg s24  }
0xb5: {  	[dreg:$0x3] =	wrdreg s16  }
0xb6: {  	[dreg:$0x4] =	wrdreg $0x133800  }
0xb7: {  	[dreg:$0x5] =	wrdreg $0x9  }
0xb8: {  	_ =	task.clear_ibuf [dreg:s7], $0x6FFFF;
	_ =	strace $0x90000046  }
0xb9: {  	s29 =	simm.s32 $0x9;
	_ =	strace $0x80000048  }
0xba: {  	_ =	swait.ge [sflag:s29], $0x1  }
0xbb: {  	[sflag:s29] =	ssyncadd.s32 $0xFFFFFFFF  }
0xbc: {  	_ =	strace $0x90000048  }
0xbd: {  	_ =	sfence  }
0xbe: {  	s30 =	sld [smem:$0x0];
	_ =	sdelay $0x2  }
0xbf: {  	s31 =	sshll.u32 s1, $0xD;
	s1 =	sshrl.u32 s1, $0x2  }
0xc0: {  	s3 =	sand.u32 $0x4000, s31;
	s1 =	sadd.s32 s1, s30  }
0xc1: {  	s0 =	sor.u32 s3, s0;
	s1 =	sshll.u32 s1, $0x11  }
0xc2: {  	s0 =	sor.u32 s1, s0  }
0xc3: {  	s0 =	sadd.s32 $0x8F2B, s0  }
0xc4: {  	[sflag:s0] =	ssyncadd.remote.s32 $0x1  }
0xc5: {  	_ =	sfence.sel $0xFFFF  }
0xc6: {  	[dreg:$0x0] =	wrdreg $0xFFFFFFFF;
	(pc) =	sbr.abs _section_cstart, $3  }
0xc7: {  	[dreg:$0x1] =	wrdreg $0xFFFFFFFF  }
0xc8: {  	_ =	task.clear_ibuf [dreg:s7], $0x2FFFF;
	_ =	strace $0x9FFFFFFF  }
0xc9: {  	(tm) =	ssettm $0x7FFFFFFF  }
tec
execute0_lowered:
.L_overlay_start_1:
0x0: {  	(tag) =	ssettag $0x1  }
0x1: {  	s0 =	rddreg [dreg:$0x0]  }
0x2: {  	s1 =	rddreg [dreg:$0x1]  }
0x3: {  	s2 =	rddreg [dreg:$0x2]  }
0x4: {  	s11 =	stileid.u32;
	s4 =	srdreg.scid  }
0x5: {  	s5 =	simm.s32 $0x0;
	s15 =	simm.s32 $0xD;
	s17 =	simm.s32 $0x50  }
0x6: {  	s18 =	simm.s32 $0x9D80;
	s19 =	simm.s32 $0xB680;
	s31 =	simm.s32 $0x10180  }
0x7: {  	s23 =	simm.s32 $0xE880;
	s28 =	simm.s32 $0x4;
	s29 =	simm.s32 $0x6  }
0x8: {  	s21 =	simm.s32 $0x0;
	s3 =	smul.u32 $0x9D8, s11;
	s4 =	sand.u32 $0x1, s4  }
0x9: {  	s7 =	smul.u32 $0xC800, s11;
	[smem:$0x7FF] =	sst s5;
	s5 =	sadd.s32 $0x1800, s0  }
0xa: {  	s6 =	sadd.s32 $0x1E1800, s0;
	s10 =	sadd.s32 $0xA1600, s0;
	s11 =	sshll.u32 s11, $0x6  }
0xb: {  	s8 =	smul.u32 $0xC8000, s4;
	_ =	strace $0x80000047;
	[dreg:$0x5] =	wrdreg s10  }
0xc: {  	s24 =	ssub.s32 $0x2, s4;
	p0 =	seq.s32 s4, $0x0;
	[dreg:$0x4] =	wrdreg s31  }
0xd: {  	s9 =	sadd.s32 s3, s0;
	s25 =	sshrl.u32 s24, $0x1;
	s1 =	sadd.s32 s1, s3  }
0xe: {  	s8 =	sadd.s32 s7, s8;
	s10 =	ssub.s32 s24, s25;
	s7 =	sadd.s32 s7, s2  }
0xf: {  	[dreg:$0x7] =	wrdreg s1;
	s26 =	sadd.s32 $0x97800, s9;
	s24 =	simm.s32 $0x1  }
0x10: {  	s25 =	simm.s32 $0x11A80;
	[dreg:$0x8] =	wrdreg s26;
	s30 =	smax.u32 s10, $0x1  }
0x11: {  	s8 =	sshrl.u32 s8, $0x3;
	s1 =	sshrl.u32 s7, $0x3;
	[dreg:$0xa] =	wrdreg s30  }
0x12: {  	s0 =	sadd.s32 s8, s0;
	s8 =	sor.u32 $0x1C0D, s11;
	[dreg:$0xb] =	wrdreg s1  }
0x13: {  	s11 =	smov.u32 s6;
	s0 =	sadd.s32 $0xA3000, s0;
	[dreg:$0x6] =	wrdreg s8  }
0x14: {  	s26 =	simm.s32 $0x2;
	s11 =	smov.u32 @p0 s5;
	[dreg:$0x9] =	wrdreg s0  }
.LBB2_1:
0x15: {  	s0 =	rddreg [dreg:$0x5]  }
0x16: {  	[spmem:s1], [sflag:s8] =	dma.local [hbm:s0], $0x1900  }
0x17: {  	_ =	swait.ge [sflag:s15], $0x1900  }
0x18: {  	[sflag:s15] =	ssyncset.done $0x0  }
0x19: {  	s8 =	simm.s32 $0x0;
	s9 =	rddreg [dreg:$0x7];
	[sflag:s15] =	ssyncadd.s32 $0xFFFFE700  }
0x1a: {  	[tilespmem:s8], [sflag:$0xD] =	stream.linear.gather [hbm4b:s9+s8], $0x4EC0, $0x38;
	[tilespmem:$0x1FB80] =	vst v63  }
0x1b: {  	_ =	swait.ge [sflag:s15], $0x4EC0  }
0x1c: {  	[sflag:s15] =	ssyncset.done $0x0  }
0x1d: {  	s3 =	simm.s32 $0x4EC0;
	s10 =	rddreg [dreg:$0x8];
	[sflag:s15] =	ssyncadd.s32 $0xFFFFB140  }
0x1e: {  	[tilespmem:s3], [sflag:$0xD] =	stream.linear.gather [hbm4b:s10+s8], $0x4EC0, $0x38;
	[tilespmem:$0x1FB80] =	vst v63  }
0x1f: {  	_ =	swait.ge [sflag:s15], $0x4EC0  }
0x20: {  	[sflag:s15] =	ssyncset.done $0x0  }
0x21: {  	[sflag:s15] =	ssyncadd.s32 $0xFFFFB140  }
0x22: {  	[bflag:$0x0] =	sbarrier.arrive $0xFFFF  }
0x23: {  	[tilespmem:s18], [sflag:$0x1] =	stream.indirect.gather [hbm4b:s11+s17], $0x50, s8, s17, $0xb8;
	[tilespmem:$0x1FB80] =	vst v63  }
0x24: {  	_ = 	snop  }
0x25: {  	[tilespmem:s19], [sflag:$0x2] =	stream.indirect.gather [hbm4b:s11+s17], $0x50, s17, s17, $0xb8;
	[tilespmem:$0x1FB80] =	vst v63  }
0x26: {  	s12 =	simm.s32 $0xA0;
	s13 =	simm.s32 $0xCF80;
	p0 =	por $0x1, $0x1  }
0x27: {  	[tilespmem:s13], [sflag:$0x3] =	stream.indirect.gather [hbm4b:s11+s17], $0x50, s12, s17, $0xb8;
	[tilespmem:$0x1FB80] =	vst v63  }
0x28: {  	s14 =	simm.s32 $0xF0;
	s3 =	simm.s32 @!p0 $0xB  }
0x29: {  	[tilespmem:s23], [sflag:$0x4] =	stream.indirect.gather [hbm4b:s11+s17], $0x50, s14, s17, $0xb8;
	[tilespmem:$0x1FB80] =	vst v63  }
0x2a: {  	_ =	swait.ge @!p0 [sflag:s3], $0x1900  }
0x2b: {  	[sflag:s3] =	ssyncset.done @!p0 $0x0  }
0x2c: {  	s16 =	simm.s32 $0x140;
	s7 =	rddreg [dreg:$0x4];
	[sflag:s3] =	ssyncadd.s32 @!p0 $0xFFFFE700  }
0x2d: {  	[tilespmem:s7], [sflag:$0x5] =	stream.indirect.gather [hbm4b:s11+s17], $0x50, s16, s17, $0xb8;
	[tilespmem:$0x1FB80] =	vst v63  }
0x2e: {  	_ =	swait.ge [sflag:s24], $0x1900  }
0x2f: {  	[sflag:s24] =	ssyncset.done $0x0  }
0x30: {  	s20 =	simm.s32 $0x4EC0;
	s7 =	simm.s32 @!p0 $0xC;
	[sflag:s24] =	ssyncadd.s32 $0xFFFFE700  }
0x31: {  	[spmem:s2] =	stream.indirect.scatter.add.f32 [tilespmem:s18], [sflag:$0x7], $0x50, s20, s17, $0xb8;
	[tilespmem:$0x1FB80] =	vst v63  }
0x32: {  	_ =	swait.ge @!p0 [sflag:s7], $0x1900  }
0x33: {  	[sflag:s7] =	ssyncset.done @!p0 $0x0  }
0x34: {  	s22 =	simm.s32 $0x190;
	[sflag:s7] =	ssyncadd.s32 @!p0 $0xFFFFE700  }
0x35: {  	[tilespmem:s25], [sflag:$0x6] =	stream.indirect.gather [hbm4b:s11+s17], $0x50, s22, s17, $0xb8;
	[tilespmem:$0x1FB80] =	vst v63  }
0x36: {  	_ =	swait.ge [sflag:s26], $0x1900  }
0x37: {  	p0 =	por $0x0, $0x0;
	[sflag:s26] =	ssyncset.done $0x0  }
0x38: {  	s30 =	simm.s32 $0x4F10;
	s7 =	simm.s32 @p0 $0x3;
	[sflag:s26] =	ssyncadd.s32 $0xFFFFE700  }
0x39: {  	[spmem:s2] =	stream.indirect.scatter.add.f32 [tilespmem:s19], [sflag:$0x8], $0x50, s30, s17, $0xb8;
	[tilespmem:$0x1FB80] =	vst v63  }
0x3a: {  	_ =	swait.ge @p0 [sflag:s7], $0x1900  }
0x3b: {  	s3 =	simm.s32 @p0 $0x4F60;
	s9 =	simm.s32 @p0 $0x50;
	[sflag:s7] =	ssyncset.done @p0 $0x0  }
0x3c: {  	s10 =	simm.s32 @p0 $0xCF80;
	s12 =	simm.s32 @!p0 $0x7;
	[sflag:s7] =	ssyncadd.s32 @p0 $0xFFFFE700  }
0x3d: {  	[spmem:s2] =	stream.indirect.scatter.add.f32 @p0 [tilespmem:s10], [sflag:$0x9], $0x50, s3, s9, $0xb8;
	[tilespmem:$0x1FB80] =	vst v63  }
0x3e: {  	_ =	swait.ge @!p0 [sflag:s12], $0x1900  }
0x3f: {  	s7 =	simm.s32 @!p0 $0x9D80;
	s3 =	simm.s32 @!p0 $0x50;
	[sflag:s12] =	ssyncset.done @!p0 $0x0  }
0x40: {  	s10 =	simm.s32 @!p0 $0x3;
	[sflag:s12] =	ssyncadd.s32 @!p0 $0xFFFFE700;
	s12 =	simm.s32 @!p0 $0x1E0  }
0x41: {  	[tilespmem:s7], [sflag:$0x1] =	stream.indirect.gather @!p0 [hbm4b:s11+s3], $0x50, s12, s3, $0xb8;
	[tilespmem:$0x1FB80] =	vst v63  }
0x42: {  	_ =	swait.ge @!p0 [sflag:s10], $0x1900  }
0x43: {  	s7 =	simm.s32 @!p0 $0xCF80;
	[sflag:s10] =	ssyncset.done @!p0 $0x0  }
0x44: {  	s12 =	simm.s32 @!p0 $0x8;
	[sflag:s10] =	ssyncadd.s32 @!p0 $0xFFFFE700;
	s10 =	simm.s32 @!p0 $0x4F60  }
0x45: {  	[spmem:s2] =	stream.indirect.scatter.add.f32 @!p0 [tilespmem:s7], [sflag:$0x9], $0x50, s10, s3, $0xb8;
	[tilespmem:$0x1FB80] =	vst v63  }
0x46: {  	p1 =	sne.s32 @!p0 s4, $0x0;
	s13 =	simm.s32 @!p0 $0x230;
	_ =	swait.ge @!p0 [sflag:s12], $0x1900  }
0x47: {  	p2 =	por !p1, p0;
	p1 =	por p1, p0;
	[sflag:s12] =	ssyncset.done @!p0 $0x0  }
0x48: {  	s22 =	simm.s32 @!p2 $0x50;
	s10 =	simm.s32 @!p2 $0xB680;
	[sflag:s12] =	ssyncadd.s32 @!p0 $0xFFFFE700  }
0x49: {  	[tilespmem:s10], [sflag:$0x2] =	stream.indirect.gather @!p2 [hbm4b:s6+s22], $0x50, s13, s22, $0xb8;
	[tilespmem:$0x1FB80] =	vst v63  }
0x4a: {  	s12 =	simm.s32 @!p1 $0xB680;
	s10 =	simm.s32 @!p1 $0x50  }
0x4b: {  	[tilespmem:s12], [sflag:$0x2] =	stream.indirect.gather @!p1 [hbm4b:s5+s10], $0x50, s13, s10, $0xb8;
	[tilespmem:$0x1FB80] =	vst v63  }
0x4c: {  	_ =	swait.ge [sflag:s28], $0x1900  }
0x4d: {  	[sflag:s28] =	ssyncset.done $0x0  }
0x4e: {  	s31 =	simm.s32 $0x4FB0;
	s12 =	simm.s32 @p0 $0x5;
	[sflag:s28] =	ssyncadd.s32 $0xFFFFE700  }
0x4f: {  	[spmem:s2] =	stream.indirect.scatter.add.f32 [tilespmem:s23], [sflag:$0xA], $0x50, s31, s17, $0xb8;
	[tilespmem:$0x1FB80] =	vst v63  }
0x50: {  	_ =	swait.ge @p0 [sflag:s12], $0x1900  }
0x51: {  	[sflag:s12] =	ssyncset.done @p0 $0x0  }
0x52: {  	s13 =	simm.s32 @p0 $0x5000;
	[sflag:s12] =	ssyncadd.s32 @p0 $0xFFFFE700;
	s12 =	simm.s32 @p0 $0x10180  }
0x53: {  	[spmem:s2] =	stream.indirect.scatter.add.f32 @p0 [tilespmem:s12], [sflag:$0xB], $0x50, s13, s9, $0xb8;
	[tilespmem:$0x1FB80] =	vst v63  }
0x54: {  	s9 =	simm.s32 @!p0 $0x9  }
0x55: {  	_ =	swait.ge @!p0 [sflag:s9], $0x1900  }
0x56: {  	[sflag:s9] =	ssyncset.done @!p0 $0x0  }
0x57: {  	s12 =	simm.s32 @!p0 $0x280;
	[sflag:s9] =	ssyncadd.s32 @!p0 $0xFFFFE700;
	s9 =	simm.s32 @!p0 $0x5  }
0x58: {  	[tilespmem:s7], [sflag:$0x3] =	stream.indirect.gather @!p0 [hbm4b:s11+s3], $0x50, s12, s3, $0xb8;
	[tilespmem:$0x1FB80] =	vst v63  }
0x59: {  	_ =	swait.ge @!p0 [sflag:s9], $0x1900  }
0x5a: {  	s7 =	simm.s32 @!p0 $0x5000;
	[sflag:s9] =	ssyncset.done @!p0 $0x0  }
0x5b: {  	s12 =	simm.s32 @!p0 $0x10180;
	[sflag:s9] =	ssyncadd.s32 @!p0 $0xFFFFE700;
	s9 =	simm.s32 @!p0 $0xA  }
0x5c: {  	[spmem:s2] =	stream.indirect.scatter.add.f32 @!p0 [tilespmem:s12], [sflag:$0xB], $0x50, s7, s3, $0xb8;
	[tilespmem:$0x1FB80] =	vst v63  }
0x5d: {  	_ =	swait.ge @!p0 [sflag:s9], $0x1900  }
0x5e: {  	s3 =	simm.s32 @!p0 $0x2D0;
	[sflag:s9] =	ssyncset.done @!p0 $0x0  }
0x5f: {  	s7 =	simm.s32 @!p2 $0xE880;
	s12 =	simm.s32 @!p1 $0xE880;
	[sflag:s9] =	ssyncadd.s32 @!p0 $0xFFFFE700  }
0x60: {  	[tilespmem:s7], [sflag:$0x4] =	stream.indirect.gather @!p2 [hbm4b:s6+s22], $0x50, s3, s22, $0xb8;
	[tilespmem:$0x1FB80] =	vst v63  }
0x61: {  	s9 =	simm.s32 $0x0;
	s22 =	simm.s32 $0x780;
	s7 =	simm.s32 $0xF00  }
.LBB2_2:
0x62: {  	[tilespmem:s12], [sflag:$0x4] =	stream.indirect.gather @!p1 [hbm4b:s5+s10], $0x50, s3, s10, $0xb8;
	[tilespmem:$0x1FB80] =	vst v63  }
0x63: {  	_ =	swait.ge [sflag:s29], $0x1900  }
0x64: {  	p1 =	seq.s32 s22, $0x0;
	[sflag:s29] =	ssyncset.done $0x0  }
0x65: {  	s9 =	sadd.s32 $0x5050, s9;
	s3 =	simm.s32 @!p1 $0xB;
	[sflag:s29] =	ssyncadd.s32 $0xFFFFE700  }
0x66: {  	[spmem:s2] =	stream.indirect.scatter.add.f32 [tilespmem:s25], [sflag:$0xC], $0x50, s9, s17, $0xb8;
	[tilespmem:$0x1FB80] =	vst v63  }
0x67: {  	_ =	swait.ge @!p1 [sflag:s3], $0x1900  }
0x68: {  	s9 =	sshra.s32 s22, $0x2;
	[sflag:s3] =	ssyncset.done @!p1 $0x0  }
0x69: {  	s13 =	sadd.s32 $0x140, s9;
	s31 =	rddreg [dreg:$0x4];
	[sflag:s3] =	ssyncadd.s32 @!p1 $0xFFFFE700  }
0x6a: {  	[tilespmem:s31], [sflag:$0x5] =	stream.indirect.gather [hbm4b:s11+s17], $0x50, s13, s17, $0xb8;
	[tilespmem:$0x1FB80] =	vst v63  }
0x6b: {  	_ =	swait.ge [sflag:s24], $0x1900  }
0x6c: {  	[sflag:s24] =	ssyncset.done $0x0  }
0x6d: {  	s12 =	simm.s32 @!p1 $0xC;
	s0 =	sadd.s32 $0x4EC0, s9;
	[sflag:s24] =	ssyncadd.s32 $0xFFFFE700  }
0x6e: {  	[spmem:s2] =	stream.indirect.scatter.add.f32 [tilespmem:s18], [sflag:$0x7], $0x50, s0, s17, $0xb8;
	[tilespmem:$0x1FB80] =	vst v63  }
0x6f: {  	_ =	swait.ge @!p1 [sflag:s12], $0x1900  }
0x70: {  	[sflag:s12] =	ssyncset.done @!p1 $0x0  }
0x71: {  	s1 =	sadd.s32 $0x190, s9;
	[sflag:s12] =	ssyncadd.s32 @!p1 $0xFFFFE700  }
0x72: {  	[tilespmem:s25], [sflag:$0x6] =	stream.indirect.gather [hbm4b:s11+s17], $0x50, s1, s17, $0xb8;
	[tilespmem:$0x1FB80] =	vst v63  }
0x73: {  	_ =	swait.ge [sflag:s26], $0x1900  }
0x74: {  	p2 =	seq.s32 s22, $0x13380;
	[sflag:s26] =	ssyncset.done $0x0  }
0x75: {  	s10 =	simm.s32 @p2 $0x3;
	s8 =	sadd.s32 $0x4F10, s9;
	[sflag:s26] =	ssyncadd.s32 $0xFFFFE700  }
0x76: {  	[spmem:s2] =	stream.indirect.scatter.add.f32 [tilespmem:s19], [sflag:$0x8], $0x50, s8, s17, $0xb8;
	[tilespmem:$0x1FB80] =	vst v63  }
0x77: {  	s30 =	smov.u32 s7;
	s16 =	simm.s32 @!p2 $0x7;
	_ =	swait.ge @p2 [sflag:s10], $0x1900  }
0x78: {  	s3 =	simm.s32 @p2 $0x50;
	s12 =	sshra.s32 @p2 s22, $0x2;
	[sflag:s10] =	ssyncset.done @p2 $0x0  }
0x79: {  	s0 =	sadd.s32 @p2 $0x4F60, s12;
	s1 =	simm.s32 @p2 $0xCF80;
	[sflag:s10] =	ssyncadd.s32 @p2 $0xFFFFE700  }
0x7a: {  	[spmem:s2] =	stream.indirect.scatter.add.f32 @p2 [tilespmem:s1], [sflag:$0x9], $0x50, s0, s3, $0xb8;
	[tilespmem:$0x1FB80] =	vst v63  }
0x7b: {  	s20 =	simm.s32 @!p2 $0x9D80;
	s13 =	sshra.s32 @!p2 s22, $0x2;
	_ =	swait.ge @!p2 [sflag:s16], $0x1900  }
0x7c: {  	s31 =	sadd.s32 @p2 $0x5000, s12;
	s12 =	simm.s32 @!p2 $0x50;
	[sflag:s16] =	ssyncset.done @!p2 $0x0  }
0x7d: {  	s0 =	simm.s32 @!p2 $0x3;
	s1 =	sadd.s32 @!p2 $0x1E0, s13;
	[sflag:s16] =	ssyncadd.s32 @!p2 $0xFFFFE700  }
0x7e: {  	[tilespmem:s20], [sflag:$0x1] =	stream.indirect.gather @!p2 [hbm4b:s11+s12], $0x50, s1, s12, $0xb8;
	[tilespmem:$0x1FB80] =	vst v63  }
0x7f: {  	s22 =	smov.u32 s30;
	_ =	swait.ge @!p2 [sflag:s0], $0x1900  }
0x80: {  	s30 =	simm.s32 @!p2 $0xCF80;
	p1 =	sne.s32 @!p2 s4, $0x0;
	[sflag:s0] =	ssyncset.done @!p2 $0x0  }
0x81: {  	s1 =	simm.s32 @!p2 $0x8;
	[sflag:s0] =	ssyncadd.s32 @!p2 $0xFFFFE700;
	s0 =	sadd.s32 @!p2 $0x4F60, s13  }
0x82: {  	[spmem:s2] =	stream.indirect.scatter.add.f32 @!p2 [tilespmem:s30], [sflag:$0x9], $0x50, s0, s12, $0xb8;
	[tilespmem:$0x1FB80] =	vst v63  }
0x83: {  	p3 =	por !p1, p2;
	_ =	swait.ge @!p2 [sflag:s1], $0x1900  }
0x84: {  	p1 =	por p1, p2;
	s10 =	simm.s32 @!p3 $0xB680;
	[sflag:s1] =	ssyncset.done @!p2 $0x0  }
0x85: {  	s20 =	simm.s32 @!p3 $0x50;
	s0 =	sadd.s32 @!p2 $0x230, s13;
	[sflag:s1] =	ssyncadd.s32 @!p2 $0xFFFFE700  }
0x86: {  	[tilespmem:s10], [sflag:$0x2] =	stream.indirect.gather @!p3 [hbm4b:s6+s20], $0x50, s0, s20, $0xb8;
	[tilespmem:$0x1FB80] =	vst v63  }
0x87: {  	s1 =	simm.s32 @!p1 $0xB680;
	s10 =	simm.s32 @!p1 $0x50  }
0x88: {  	[tilespmem:s1], [sflag:$0x2] =	stream.indirect.gather @!p1 [hbm4b:s5+s10], $0x50, s0, s10, $0xb8;
	[tilespmem:$0x1FB80] =	vst v63  }
0x89: {  	_ =	swait.ge [sflag:s28], $0x1900  }
0x8a: {  	[sflag:s28] =	ssyncset.done $0x0  }
0x8b: {  	s14 =	sadd.s32 $0x4FB0, s9;
	s0 =	simm.s32 @p2 $0x5;
	[sflag:s28] =	ssyncadd.s32 $0xFFFFE700  }
0x8c: {  	[spmem:s2] =	stream.indirect.scatter.add.f32 [tilespmem:s23], [sflag:$0xA], $0x50, s14, s17, $0xb8;
	[tilespmem:$0x1FB80] =	vst v63  }
0x8d: {  	_ =	swait.ge @p2 [sflag:s0], $0x1900  }
0x8e: {  	[sflag:s0] =	ssyncset.done @p2 $0x0  }
0x8f: {  	s1 =	simm.s32 @p2 $0x10180;
	s14 =	simm.s32 @!p2 $0x9;
	[sflag:s0] =	ssyncadd.s32 @p2 $0xFFFFE700  }
0x90: {  	[spmem:s2] =	stream.indirect.scatter.add.f32 @p2 [tilespmem:s1], [sflag:$0xB], $0x50, s31, s3, $0xb8;
	[tilespmem:$0x1FB80] =	vst v63  }
0x91: {  	_ =	swait.ge @!p2 [sflag:s14], $0x1900  }
0x92: {  	[sflag:s14] =	ssyncset.done @!p2 $0x0  }
0x93: {  	s16 =	sadd.s32 @!p2 $0x280, s13;
	s0 =	simm.s32 @!p2 $0x5;
	[sflag:s14] =	ssyncadd.s32 @!p2 $0xFFFFE700  }
0x94: {  	[tilespmem:s30], [sflag:$0x3] =	stream.indirect.gather @!p2 [hbm4b:s11+s12], $0x50, s16, s12, $0xb8;
	[tilespmem:$0x1FB80] =	vst v63  }
0x95: {  	s7 =	sadd.s32 $0x780, s7;
	_ =	swait.ge @!p2 [sflag:s0], $0x1900  }
0x96: {  	p0 =	sne.s32 s7, $0x13B00;
	[sflag:s0] =	ssyncset.done @!p2 $0x0  }
0x97: {  	s8 =	sadd.s32 @!p2 $0x5000, s13;
	s1 =	simm.s32 @!p2 $0x10180;
	[sflag:s0] =	ssyncadd.s32 @!p2 $0xFFFFE700  }
0x98: {  	[spmem:s2] =	stream.indirect.scatter.add.f32 @!p2 [tilespmem:s1], [sflag:$0xB], $0x50, s8, s12, $0xb8;
	[tilespmem:$0x1FB80] =	vst v63  }
.Ltmp0:
0x99: {  	s14 =	simm.s32 @!p2 $0xA;
	(pc) =	sbr.rel @p0 .LBB2_2-.Ltmp0, $4  }
0x9a: {  	_ =	swait.ge @!p2 [sflag:s14], $0x1900  }
0x9b: {  	s3 =	sadd.s32 @!p2 $0x2D0, s13;
	[sflag:s14] =	ssyncset.done @!p2 $0x0  }
0x9c: {  	s0 =	simm.s32 @!p3 $0xE880;
	s12 =	simm.s32 @!p1 $0xE880;
	[sflag:s14] =	ssyncadd.s32 @!p2 $0xFFFFE700  }
0x9d: {  	[tilespmem:s0], [sflag:$0x4] =	stream.indirect.gather @!p3 [hbm4b:s6+s20], $0x50, s3, s20, $0xb8;
	[tilespmem:$0x1FB80] =	vst v63  }
0x9e: {  	[tilespmem:s12], [sflag:$0x4] =	stream.indirect.gather @!p1 [hbm4b:s5+s10], $0x50, s3, s10, $0xb8;
	[tilespmem:$0x1FB80] =	vst v63  }
0x9f: {  	_ =	swait.ge [sflag:s29], $0x1900  }
0xa0: {  	p0 =	seq.s32 s22, $0x0;
	[sflag:s29] =	ssyncset.done $0x0  }
0xa1: {  	s1 =	sadd.s32 $0x5050, s9;
	s0 =	simm.s32 @!p0 $0xB;
	[sflag:s29] =	ssyncadd.s32 $0xFFFFE700  }
0xa2: {  	[spmem:s2] =	stream.indirect.scatter.add.f32 [tilespmem:s25], [sflag:$0xC], $0x50, s1, s17, $0xb8;
	[tilespmem:$0x1FB80] =	vst v63  }
0xa3: {  	_ =	swait.ge @!p0 [sflag:s0], $0x1900  }
0xa4: {  	s7 =	sshra.s32 s22, $0x2;
	[sflag:s0] =	ssyncset.done @!p0 $0x0  }
0xa5: {  	s14 =	sadd.s32 $0x140, s7;
	s13 =	rddreg [dreg:$0x4];
	[sflag:s0] =	ssyncadd.s32 @!p0 $0xFFFFE700  }
0xa6: {  	[tilespmem:s13], [sflag:$0x5] =	stream.indirect.gather [hbm4b:s11+s17], $0x50, s14, s17, $0xb8;
	[tilespmem:$0x1FB80] =	vst v63  }
0xa7: {  	_ =	swait.ge [sflag:s24], $0x1900  }
0xa8: {  	[sflag:s24] =	ssyncset.done $0x0  }
0xa9: {  	s16 =	sadd.s32 $0x4EC0, s7;
	s1 =	simm.s32 @!p0 $0xC;
	[sflag:s24] =	ssyncadd.s32 $0xFFFFE700  }
0xaa: {  	[spmem:s2] =	stream.indirect.scatter.add.f32 [tilespmem:s18], [sflag:$0x7], $0x50, s16, s17, $0xb8;
	[tilespmem:$0x1FB80] =	vst v63  }
0xab: {  	_ =	swait.ge @!p0 [sflag:s1], $0x1900  }
0xac: {  	[sflag:s1] =	ssyncset.done @!p0 $0x0  }
0xad: {  	s20 =	sadd.s32 $0x190, s7;
	[sflag:s1] =	ssyncadd.s32 @!p0 $0xFFFFE700  }
0xae: {  	[tilespmem:s25], [sflag:$0x6] =	stream.indirect.gather [hbm4b:s11+s17], $0x50, s20, s17, $0xb8;
	[tilespmem:$0x1FB80] =	vst v63  }
0xaf: {  	_ =	swait.ge [sflag:s26], $0x1900  }
0xb0: {  	p0 =	seq.s32 s22, $0x13380;
	[sflag:s26] =	ssyncset.done $0x0  }
0xb1: {  	s30 =	sadd.s32 $0x4F10, s7;
	s1 =	simm.s32 @p0 $0x3;
	[sflag:s26] =	ssyncadd.s32 $0xFFFFE700  }
0xb2: {  	[spmem:s2] =	stream.indirect.scatter.add.f32 [tilespmem:s19], [sflag:$0x8], $0x50, s30, s17, $0xb8;
	[tilespmem:$0x1FB80] =	vst v63  }
0xb3: {  	s0 =	sshra.s32 @p0 s22, $0x2;
	_ =	swait.ge @p0 [sflag:s1], $0x1900  }
0xb4: {  	s8 =	simm.s32 @p0 $0x50;
	s9 =	simm.s32 @p0 $0xCF80;
	[sflag:s1] =	ssyncset.done @p0 $0x0  }
0xb5: {  	s10 =	simm.s32 @!p0 $0x7;
	s3 =	sadd.s32 @p0 $0x4F60, s0;
	[sflag:s1] =	ssyncadd.s32 @p0 $0xFFFFE700  }
0xb6: {  	[spmem:s2] =	stream.indirect.scatter.add.f32 @p0 [tilespmem:s9], [sflag:$0x9], $0x50, s3, s8, $0xb8;
	[tilespmem:$0x1FB80] =	vst v63  }
0xb7: {  	s12 =	simm.s32 @!p0 $0x3;
	_ =	swait.ge @!p0 [sflag:s10], $0x1900  }
0xb8: {  	s1 =	simm.s32 @!p0 $0x50;
	s9 =	sshra.s32 @!p0 s22, $0x2;
	[sflag:s10] =	ssyncset.done @!p0 $0x0  }
0xb9: {  	s3 =	simm.s32 @!p0 $0x9D80;
	[sflag:s10] =	ssyncadd.s32 @!p0 $0xFFFFE700;
	s10 =	sadd.s32 @!p0 $0x1E0, s9  }
0xba: {  	[tilespmem:s3], [sflag:$0x1] =	stream.indirect.gather @!p0 [hbm4b:s11+s1], $0x50, s10, s1, $0xb8;
	[tilespmem:$0x1FB80] =	vst v63  }
0xbb: {  	_ =	swait.ge @!p0 [sflag:s12], $0x1900  }
0xbc: {  	p2 =	sne.s32 @!p0 s4, $0x0;
	s3 =	simm.s32 @!p0 $0xCF80;
	[sflag:s12] =	ssyncset.done @!p0 $0x0  }
0xbd: {  	s10 =	simm.s32 @!p0 $0x8;
	[sflag:s12] =	ssyncadd.s32 @!p0 $0xFFFFE700;
	s12 =	sadd.s32 @!p0 $0x4F60, s9  }
0xbe: {  	[spmem:s2] =	stream.indirect.scatter.add.f32 @!p0 [tilespmem:s3], [sflag:$0x9], $0x50, s12, s1, $0xb8;
	[tilespmem:$0x1FB80] =	vst v63  }
0xbf: {  	p1 =	por !p2, p0;
	_ =	swait.ge @!p0 [sflag:s10], $0x1900  }
0xc0: {  	p2 =	por p2, p0;
	s14 =	simm.s32 @!p1 $0x50;
	[sflag:s10] =	ssyncset.done @!p0 $0x0  }
0xc1: {  	s13 =	sadd.s32 @!p0 $0x230, s9;
	s12 =	simm.s32 @!p1 $0xB680;
	[sflag:s10] =	ssyncadd.s32 @!p0 $0xFFFFE700  }
0xc2: {  	[tilespmem:s12], [sflag:$0x2] =	stream.indirect.gather @!p1 [hbm4b:s6+s14], $0x50, s13, s14, $0xb8;
	[tilespmem:$0x1FB80] =	vst v63  }
0xc3: {  	s10 =	simm.s32 @!p2 $0x50;
	s12 =	simm.s32 @!p2 $0xB680  }
0xc4: {  	[tilespmem:s12], [sflag:$0x2] =	stream.indirect.gather @!p2 [hbm4b:s5+s10], $0x50, s13, s10, $0xb8;
	[tilespmem:$0x1FB80] =	vst v63  }
0xc5: {  	_ =	swait.ge [sflag:s28], $0x1900  }
0xc6: {  	[sflag:s28] =	ssyncset.done $0x0  }
0xc7: {  	s31 =	sadd.s32 $0x4FB0, s7;
	s12 =	simm.s32 @p0 $0x5;
	[sflag:s28] =	ssyncadd.s32 $0xFFFFE700  }
0xc8: {  	[spmem:s2] =	stream.indirect.scatter.add.f32 [tilespmem:s23], [sflag:$0xA], $0x50, s31, s17, $0xb8;
	[tilespmem:$0x1FB80] =	vst v63  }
0xc9: {  	_ =	swait.ge @p0 [sflag:s12], $0x1900  }
0xca: {  	[sflag:s12] =	ssyncset.done @p0 $0x0  }
0xcb: {  	s0 =	sadd.s32 @p0 $0x5000, s0;
	[sflag:s12] =	ssyncadd.s32 @p0 $0xFFFFE700;
	s12 =	simm.s32 @p0 $0x10180  }
0xcc: {  	[spmem:s2] =	stream.indirect.scatter.add.f32 @p0 [tilespmem:s12], [sflag:$0xB], $0x50, s0, s8, $0xb8;
	[tilespmem:$0x1FB80] =	vst v63  }
0xcd: {  	s0 =	simm.s32 @!p0 $0x9  }
0xce: {  	_ =	swait.ge @!p0 [sflag:s0], $0x1900  }
0xcf: {  	[sflag:s0] =	ssyncset.done @!p0 $0x0  }
0xd0: {  	[sflag:s0] =	ssyncadd.s32 @!p0 $0xFFFFE700;
	s0 =	sadd.s32 @!p0 $0x280, s9  }
0xd1: {  	[tilespmem:s3], [sflag:$0x3] =	stream.indirect.gather @!p0 [hbm4b:s11+s1], $0x50, s0, s1, $0xb8;
	[tilespmem:$0x1FB80] =	vst v63  }
0xd2: {  	s0 =	simm.s32 @!p0 $0x5  }
0xd3: {  	_ =	swait.ge @!p0 [sflag:s0], $0x1900  }
0xd4: {  	[sflag:s0] =	ssyncset.done @!p0 $0x0  }
0xd5: {  	s3 =	sadd.s32 @!p0 $0x5000, s9;
	[sflag:s0] =	ssyncadd.s32 @!p0 $0xFFFFE700;
	s0 =	simm.s32 @!p0 $0x10180  }
0xd6: {  	[spmem:s2] =	stream.indirect.scatter.add.f32 @!p0 [tilespmem:s0], [sflag:$0xB], $0x50, s3, s1, $0xb8;
	[tilespmem:$0x1FB80] =	vst v63  }
0xd7: {  	s0 =	simm.s32 @!p0 $0xA  }
0xd8: {  	_ =	swait.ge @!p0 [sflag:s0], $0x1900  }
0xd9: {  	[sflag:s0] =	ssyncset.done @!p0 $0x0  }
0xda: {  	s1 =	sadd.s32 @!p0 $0x2D0, s9;
	[sflag:s0] =	ssyncadd.s32 @!p0 $0xFFFFE700;
	s0 =	simm.s32 @!p1 $0xE880  }
0xdb: {  	[tilespmem:s0], [sflag:$0x4] =	stream.indirect.gather @!p1 [hbm4b:s6+s14], $0x50, s1, s14, $0xb8;
	[tilespmem:$0x1FB80] =	vst v63  }
0xdc: {  	s0 =	simm.s32 @!p2 $0xE880  }
0xdd: {  	[tilespmem:s0], [sflag:$0x4] =	stream.indirect.gather @!p2 [hbm4b:s5+s10], $0x50, s1, s10, $0xb8;
	[tilespmem:$0x1FB80] =	vst v63  }
0xde: {  	_ =	swait.ge [sflag:s29], $0x1900  }
0xdf: {  	[sflag:s29] =	ssyncset.done $0x0  }
0xe0: {  	s12 =	simm.s32 $0x7;
	s10 =	sadd.s32 $0x5050, s7;
	[sflag:s29] =	ssyncadd.s32 $0xFFFFE700  }
0xe1: {  	[spmem:s2] =	stream.indirect.scatter.add.f32 [tilespmem:s25], [sflag:$0xC], $0x50, s10, s17, $0xb8;
	[tilespmem:$0x1FB80] =	vst v63  }
0xe2: {  	_ =	swait.ge [sflag:s12], $0x1900  }
0xe3: {  	[sflag:s12] =	ssyncset.done $0x0  }
0xe4: {  	s13 =	simm.s32 $0x8;
	[sflag:s12] =	ssyncadd.s32 $0xFFFFE700  }
0xe5: {  	_ =	swait.ge [sflag:s13], $0x1900  }
0xe6: {  	[sflag:s13] =	ssyncset.done $0x0  }
0xe7: {  	s14 =	simm.s32 $0x9;
	[sflag:s13] =	ssyncadd.s32 $0xFFFFE700  }
0xe8: {  	_ =	swait.ge [sflag:s14], $0x1900  }
0xe9: {  	[sflag:s14] =	ssyncset.done $0x0  }
0xea: {  	s16 =	simm.s32 $0xA;
	[sflag:s14] =	ssyncadd.s32 $0xFFFFE700  }
0xeb: {  	_ =	swait.ge [sflag:s16], $0x1900  }
0xec: {  	[sflag:s16] =	ssyncset.done $0x0  }
0xed: {  	s20 =	simm.s32 $0xB;
	[sflag:s16] =	ssyncadd.s32 $0xFFFFE700  }
0xee: {  	_ =	swait.ge [sflag:s20], $0x1900  }
0xef: {  	[sflag:s20] =	ssyncset.done $0x0  }
0xf0: {  	s22 =	simm.s32 $0xC;
	[sflag:s20] =	ssyncadd.s32 $0xFFFFE700  }
0xf1: {  	_ =	swait.ge [sflag:s22], $0x1900  }
0xf2: {  	[sflag:s22] =	ssyncset.done $0x0  }
0xf3: {  	[sflag:s22] =	ssyncadd.s32 $0xFFFFE700  }
0xf4: {  	[bflag:$0x0] =	sbarrier.arrive $0xFFFF  }
0xf5: {  	s8 =	rddreg [dreg:$0x6]  }
0xf6: {  	s30 =	rddreg [dreg:$0x9]  }
0xf7: {  	s1 =	rddreg [dreg:$0xb]  }
0xf8: {  	[hbm:s30], [sflag:s8] =	dma.local [spmem:s1], $0x1900  }
0xf9: {  	_ =	swait.ge [sflag:s15], $0x1900  }
0xfa: {  	s21 =	sadd.s32 $0x1, s21;
	s31 =	rddreg [dreg:$0xa]  }
0xfb: {  	p0 =	sne.s32 s21, s31  }
.Ltmp1:
0xfc: {  	_ = 	snop;
	(pc) =	sbr.rel @p0 .LBB2_1-.Ltmp1, $3  }
0xfd: {  	_ =	sdelay $0x1  }
0xfe: {  	[sflag:s15] =	ssyncset.done $0x0  }
0xff: {  	[sflag:s15] =	ssyncadd.s32 $0xFFFFE700  }
0x100: {  	_ =	sfence.sel $0x180000  }
0x101: {  	[bflag:$0x0] =	sbarrier.arrive $0xFFFF  }
0x102: {  	_ =	strace $0x90000047  }
0x103: {  	s0 =	stileid.u32;
	[bflag:$0x2] =	sbarrier.arrive $0xFFFF  }
0x104: {  	p0 =	sne.s32 s0, $0x0;
	s0 =	rddreg [dreg:$0x3]  }
0x105: {  	s0 =	sadd.s32 @!p0 $0x100000, s0  }
0x106: {  	[sflag:s0] =	ssyncadd.tile.s32 @!p0 $0x1;
	_ =	shalt  }
.Lfunc_end2:
_tile_overlayer_lowered:
.L_overlay_start_2:
0x107: {  	(tag) =	ssettag $0x2  }
0x108: {  	s0 =	rddreg [dreg:$0x0];
	s2 =	stileid.u32  }
0x109: {  	s1 =	rddreg [dreg:$0x1];
	p0 =	sne.s32 s2, $0x0  }
0x10a: {  	s3 =	rddreg [dreg:$0x2];
	[bflag:$0x3] =	sbarrier.arrive $0xFFFF;
	s2 =	simm.s32 @!p0 $0x1C0D  }
0x10b: {  	[timem:s3], [sflag:s2] =	dma.local @!p0 [hbm:s0], s1  }
0x10c: {  	s0 =	simm.s32 @!p0 $0xD  }
0x10d: {  	_ =	swait.ge @!p0 [sflag:s0], s1  }
0x10e: {  	s1 =	ssub.s32 @!p0 $0x0, s1;
	[sflag:s0] =	ssyncset.done @!p0 $0x0  }
0x10f: {  	[sflag:s0] =	ssyncadd.s32 @!p0 s1  }
0x110: {  	[bflag:$0x3] =	sbarrier.arrive $0xFFFF  }
0x111: {  	_ =	shalt  }

</sc_bundles>
